<compile_context>
chip_gen: v7x
topology: tpu7x:2x2x1
jax: 0.10.2.dev20260603
libtpu: 0.0.44.dev20260713+nightly
codegen_flags: <defaults>
</compile_context>

<pallas_src>
import functools

import jax
import jax.numpy as jnp
from jax import lax
from jax.experimental import pallas as pl
from jax.experimental.pallas import tpu as pltpu
from jax.experimental.pallas import tpu_sc as plsc

N, Q, P, S, B, D = 32768, 256, 10, 8, 16, 64
NC, NS, L = 2, 16, 16
NW = NC * NS
RPW = N // NW
CHUNK = 128
NCHUNK = RPW // CHUNK

_F32 = jnp.float32

_GDN = lax.GatherDimensionNumbers(
    offset_dims=(), collapsed_slice_dims=(0,), start_index_map=(0,))


def _splat_lane(vec, lane):
    idx = jnp.full((L, 1), lane, jnp.int32)
    return lax.gather(vec, idx, _GDN, slice_sizes=(1,),
                      mode=lax.GatherScatterMode.PROMISE_IN_BOUNDS)


def _hsum_splat(vec):
    x = vec
    for stride in (1, 2, 4, 8):
        idx = (jnp.arange(L, dtype=jnp.int32) ^ stride).reshape(L, 1)
        x = x + lax.gather(x, idx, _GDN, slice_sizes=(1,),
                           mode=lax.GatherScatterMode.PROMISE_IN_BOUNDS)
    return x


def _sort16(v):
    return jnp.sort(v)


def _sort64(d0, d1, d2, d3):
    s0 = _sort16(d0)
    s1d = -_sort16(-d1)
    la, ha = jnp.minimum(s0, s1d), jnp.maximum(s0, s1d)
    a0, a1 = _sort16(la), _sort16(ha)
    s2 = _sort16(d2)
    s3d = -_sort16(-d3)
    lb, hb = jnp.minimum(s2, s3d), jnp.maximum(s2, s3d)
    b0, b1 = -_sort16(-hb), -_sort16(-lb)
    l0, l1 = jnp.minimum(a0, b0), jnp.minimum(a1, b1)
    h0, h1 = jnp.maximum(a0, b0), jnp.maximum(a1, b1)
    o0 = _sort16(jnp.minimum(l0, l1))
    o1 = _sort16(jnp.maximum(l0, l1))
    o2 = _sort16(jnp.minimum(h0, h1))
    o3 = _sort16(jnp.maximum(h0, h1))
    return o0, o1, o2, o3


_LANE_IOTA = tuple(range(L))


def _sc_body(x_hbm, xd_hbm, topo_hbm, seg_hbm, out_hbm,
             x_v0, x_v1, xd_v0, xd_v1, sid_v0, sid_v1,
             topo_v, acc_v, sem0, sem1):
    cid = lax.axis_index("c")
    sid = lax.axis_index("s")
    wid = cid * NS + sid

    pltpu.sync_copy(topo_hbm, topo_v)
    t = [topo_v[pl.ds(k * L, L)] for k in range(4)]
    e = [jnp.exp(tk) for tk in t]
    sden = _hsum_splat(e[0] + e[1] + e[2] + e[3])
    v = [ek / sden for ek in e]
    r0, r1, r2, r3 = _sort64(v[0], v[1], v[2], v[3])

    def zrow(r, carry):
        for cc in range(Q // L):
            acc_v[r, pl.ds(cc * L, L)] = jnp.zeros((L,), _F32)
        return carry
    lax.fori_loop(0, B, zrow, 0)

    base = wid * RPW
    col_iota = jnp.arange(L, dtype=jnp.int32)

    bufs = ((x_v0, xd_v0, sid_v0, sem0), (x_v1, xd_v1, sid_v1, sem1))

    def _start(k):
        xb, db, sb, sem = bufs[k % 2]
        row0 = base + k * CHUNK
        return (pltpu.async_copy(x_hbm.at[pl.ds(row0, CHUNK)], xb, sem),
                pltpu.async_copy(xd_hbm.at[pl.ds(row0, CHUNK)], db, sem),
                pltpu.async_copy(seg_hbm.at[pl.ds(row0, CHUNK)], sb, sem))

    handles = _start(0)
    for k in range(NCHUNK):
        nxt = _start(k + 1) if k + 1 < NCHUNK else None
        for h in handles:
            h.wait()
        x_v, xd_v, sid_v, _ = bufs[k % 2]

        @plsc.parallel_loop(0, 16, 1, unroll=2)
        def row_body(r):
            d0 = xd_v[r, pl.ds(0 * L, L)]
            d1 = xd_v[r, pl.ds(1 * L, L)]
            d2 = xd_v[r, pl.ds(2 * L, L)]
            d3 = xd_v[r, pl.ds(3 * L, L)]
            u = d0 + d1 + d2 + d3
            rr = jnp.broadcast_to(r, (L,))
            bag = plsc.load_gather(sid_v, [rr])
            plsc.addupdate_scatter(
                acc_v, [bag, col_iota],
                x_v[r, pl.ds(0, L)] * u)

        handles = nxt

    pltpu.sync_copy(acc_v, out_hbm.at[wid])


def _sc_segment_weighted_sum(x, x_dists, topology, segment_ids):
    mesh = plsc.VectorSubcoreMesh(core_axis_name="c", subcore_axis_name="s")
    kern = functools.partial(
        pl.kernel,
        out_type=jax.ShapeDtypeStruct((NW, B, Q), _F32),
        mesh=mesh,
        compiler_params=pltpu.CompilerParams(needs_layout_passes=False),
        scratch_types=[
            pltpu.VMEM((CHUNK, Q), _F32),
            pltpu.VMEM((CHUNK, Q), _F32),
            pltpu.VMEM((CHUNK, D), _F32),
            pltpu.VMEM((CHUNK, D), _F32),
            pltpu.VMEM((CHUNK,), jnp.int32),
            pltpu.VMEM((CHUNK,), jnp.int32),
            pltpu.VMEM((D,), _F32),
            pltpu.VMEM((B, Q), _F32),
            pltpu.SemaphoreType.DMA,
            pltpu.SemaphoreType.DMA,
        ],
    )(_sc_body)
    return kern(x, x_dists, topology, segment_ids)


def _tail_body(part_ref, bz_ref, out_ref):
    z16 = jnp.sum(part_ref[...], axis=0)
    bz = bz_ref[...]
    y = jnp.dot(z16, bz, preferred_element_type=_F32)
    b2 = jnp.sqrt(jnp.mean(bz * bz, axis=0, keepdims=True))
    m = jnp.mean(y, axis=0, keepdims=True)
    c = y - m
    var = jnp.sum(c * c, axis=0, keepdims=True) * (1.0 / (B - 1))
    out_ref[...] = b2 * c * lax.rsqrt(var)


def kernel(x, x_dists, topology, beta_z, segment_ids):
    partials = _sc_segment_weighted_sum(
        x, x_dists, topology, segment_ids.astype(jnp.int32))
    bz2 = beta_z.reshape(Q, P * S)
    y = pl.pallas_call(
        _tail_body,
        out_shape=jax.ShapeDtypeStruct((B, P * S), _F32),
    )(partials, bz2)
    return y.reshape(B, P, S)

# --- scband reference (transcript-rebuilt; emitter-appended) ---
"""Pipeline reference for scband-fast-mipl-75265006895298 (READ-ONLY COPY).

The authoritative reference and input builder live on the scoring server;
editing this copy changes nothing except your own understanding.
"""

import jax, jax.numpy as jnp
import numpy as np

N = 32768   # total instances (tokens) across all bags
Q = 256     # dim_xs (instance feature dim)
P = 10      # nr_class
S = 8       # nr_samples (posterior MC samples)
B = 16      # number of bags (segments)
D = 64      # length of 1-D empirical distributions for Wasserstein weights


def setup_inputs(seed: int = 0) -> dict:
    key = jax.random.key(seed)
    k1, k2, k3, k4, k5 = jax.random.split(key, 5)
    x = jax.random.normal(k1, (N, Q), dtype=jnp.float32)
    x_dists = jax.random.uniform(k2, (N, D), dtype=jnp.float32)
    topology = jax.random.uniform(k3, (D,), dtype=jnp.float32)
    segment_ids = jnp.sort(jax.random.randint(k4, (N,), 0, B)).astype(jnp.int32)
    # learned posterior sample tensor beta_z: [dim_xs, nr_class, nr_samples]
    beta_z = jax.random.normal(k5, (Q, P, S), dtype=jnp.float32)
    return {"x": x, "x_dists": x_dists, "topology": topology,
            "beta_z": beta_z, "segment_ids": segment_ids}


def _wasserstein_1d_rows(samples_rows, ref_samples):
    # 1-D W1 distance between each row's empirical samples and the reference
    # samples (equal sample count): mean |sort(u) - sort(v)|.
    s_sorted = jnp.sort(samples_rows, axis=1)
    r_sorted = jnp.sort(ref_samples)
    return jnp.mean(jnp.abs(s_sorted - r_sorted[None, :]), axis=1)


def reference(x, x_dists, topology, beta_z, segment_ids):
    # b = sqrt(mean(beta_z^2, dim=0, keepdim)); eta = beta_z / b
    b = jnp.sqrt(jnp.mean(beta_z ** 2, axis=0, keepdims=True))  # [1, P, S]
    eta = beta_z / b                                            # [Q, P, S]

    # feature_to_distribution(topology): normalize to a distribution
    bag_topo_dist = jax.nn.softmax(topology)                    # [D]

    # Wasserstein-1 distance of each instance distribution to the bag
    # topology distribution -> softmax weights
    w1 = _wasserstein_1d_rows(x_dists, bag_topo_dist)           # [N]
    w = jax.nn.softmax(-w1)[:, None, None]                      # [N, 1, 1]

    # t = einsum('iq,qps->ips', x, eta)
    t = jnp.einsum('iq,qps->ips', x, eta)                       # [N, P, S]

    # segment_add_csr(w * t, i_ptr) -> segment sum per bag
    z_bag = jax.ops.segment_sum(w * t, segment_ids, num_segments=B)  # [B, P, S]

    mean = jnp.mean(z_bag, axis=0)
    std = jnp.std(z_bag, axis=0, ddof=1)  # torch std default is unbiased
    z_bag = b * (z_bag - mean) / std
    return z_bag

if __name__ == "__main__":
    import jax
    _d = setup_inputs()
    print(jax.jit(kernel)(*tuple(_d.values())))

</pallas_src>

<mosaic_0001>
#map = affine_map<(d0, d1) -> (0, 0)>
#map1 = affine_map<(d0, d1) -> (0)>
#map2 = affine_map<(d0, d1) -> (0, 0, 0)>
module attributes {stable_mosaic.version = 14 : i64} {
  func.func @_sc_body(%arg0: i32, %arg1: i32, %arg2: memref<32768x256xf32, #tpu.memory_space<hbm>>, %arg3: memref<32768x64xf32, #tpu.memory_space<hbm>>, %arg4: memref<64xf32, #tpu.memory_space<hbm>>, %arg5: memref<32768xi32, #tpu.memory_space<hbm>>, %arg6: memref<32x16x256xf32, #tpu.memory_space<hbm>>, %arg7: memref<128x256xf32, #tpu.memory_space<vmem>>, %arg8: memref<128x256xf32, #tpu.memory_space<vmem>>, %arg9: memref<128x64xf32, #tpu.memory_space<vmem>>, %arg10: memref<128x64xf32, #tpu.memory_space<vmem>>, %arg11: memref<128xi32, #tpu.memory_space<vmem>>, %arg12: memref<128xi32, #tpu.memory_space<vmem>>, %arg13: memref<64xf32, #tpu.memory_space<vmem>>, %arg14: memref<16x256xf32, #tpu.memory_space<vmem>>, %arg15: memref<!tpu.dma_semaphore, #tpu.memory_space<semaphore_mem>>, %arg16: memref<!tpu.dma_semaphore, #tpu.memory_space<semaphore_mem>>) attributes {dimension_semantics = [#tpu.dimension_semantics<core_parallel>, #tpu.dimension_semantics<subcore_parallel>], iteration_bounds = array<i64: 2, 16>, scalar_prefetch = 0 : i64, scratch_operands = 10 : i64, tpu.core_type = #tpu.core_type<sc_vector_subcore>, window_params = [{transform_indices = #map}, {transform_indices = #map}, {transform_indices = #map1}, {transform_indices = #map1}, {transform_indices = #map2}]} {
    %mul3A = arith.constant 16 : i32
    %mul3A_0 = arith.muli %arg0, %mul3A : i32
    %add3A = arith.addi %mul3A_0, %arg1 : i32
    "tpu.region"() ({
      %run_scoped3A = tpu.sem_alloc : memref<!tpu.dma_semaphore, #tpu.memory_space<semaphore_mem>>
      tpu.enqueue_dma source(%arg4 : memref<64xf32, #tpu.memory_space<hbm>>) target(%arg13 : memref<64xf32, #tpu.memory_space<vmem>>) target_semaphore(%run_scoped3A : memref<!tpu.dma_semaphore, #tpu.memory_space<semaphore_mem>>)
      tpu.wait_dma2 semaphore(%run_scoped3A : memref<!tpu.dma_semaphore, #tpu.memory_space<semaphore_mem>>) src(%arg4 : memref<64xf32, #tpu.memory_space<hbm>>) dst(%arg13 : memref<64xf32, #tpu.memory_space<vmem>>)
      tpu.yield
    }) : () -> ()
    %get3A = arith.constant 0 : index
    %get3A_1 = tpu.vector_load %arg13[%get3A] {strides = array<i32>} : memref<64xf32, #tpu.memory_space<vmem>>, vector<16xf32>,
    %get3A_2 = arith.constant 16 : index
    %get3A_3 = tpu.vector_load %arg13[%get3A_2] {strides = array<i32>} : memref<64xf32, #tpu.memory_space<vmem>>, vector<16xf32>,
    %get3A_4 = arith.constant 32 : index
    %get3A_5 = tpu.vector_load %arg13[%get3A_4] {strides = array<i32>} : memref<64xf32, #tpu.memory_space<vmem>>, vector<16xf32>,
    %get3A_6 = arith.constant 48 : index
    %get3A_7 = tpu.vector_load %arg13[%get3A_6] {strides = array<i32>} : memref<64xf32, #tpu.memory_space<vmem>>, vector<16xf32>,
    %exp3A = math.exp %get3A_1 : vector<16xf32>
    %exp3A_8 = math.exp %get3A_3 : vector<16xf32>
    %exp3A_9 = math.exp %get3A_5 : vector<16xf32>
    %exp3A_10 = math.exp %get3A_7 : vector<16xf32>
    %add3A_11 = arith.addf %exp3A, %exp3A_8 : vector<16xf32>
    %add3A_12 = arith.addf %add3A_11, %exp3A_9 : vector<16xf32>
    %add3A_13 = arith.addf %add3A_12, %exp3A_10 : vector<16xf32>
    %iota3A = tpu.iota {dimensions = array<i32: 0>} : vector<16xi32>
    %xor3A = arith.constant 1 : i32
    %xor3A_14 = vector.broadcast %xor3A : i32 to vector<16xi32>
    %xor3A_15 = arith.xori %iota3A, %xor3A_14 : vector<16xi32>
    %reshape3A = vector.shape_cast %xor3A_15 : vector<16xi32> to vector<16x1xi32>
    %gather3A = vector.shape_cast %reshape3A : vector<16x1xi32> to vector<16xi32>
    %gather3A_16 = tpu.dynamic_gather %add3A_13[%gather3A] in [0] : vector<16xf32>, vector<16xi32> -> vector<16xf32>
    %add3A_17 = arith.addf %add3A_13, %gather3A_16 : vector<16xf32>
    %iota3A_18 = tpu.iota {dimensions = array<i32: 0>} : vector<16xi32>
    %xor3A_19 = arith.constant 2 : i32
    %xor3A_20 = vector.broadcast %xor3A_19 : i32 to vector<16xi32>
    %xor3A_21 = arith.xori %iota3A_18, %xor3A_20 : vector<16xi32>
    %reshape3A_22 = vector.shape_cast %xor3A_21 : vector<16xi32> to vector<16x1xi32>
    %gather3A_23 = vector.shape_cast %reshape3A_22 : vector<16x1xi32> to vector<16xi32>
    %gather3A_24 = tpu.dynamic_gather %add3A_17[%gather3A_23] in [0] : vector<16xf32>, vector<16xi32> -> vector<16xf32>
    %add3A_25 = arith.addf %add3A_17, %gather3A_24 : vector<16xf32>
    %iota3A_26 = tpu.iota {dimensions = array<i32: 0>} : vector<16xi32>
    %xor3A_27 = arith.constant 4 : i32
    %xor3A_28 = vector.broadcast %xor3A_27 : i32 to vector<16xi32>
    %xor3A_29 = arith.xori %iota3A_26, %xor3A_28 : vector<16xi32>
    %reshape3A_30 = vector.shape_cast %xor3A_29 : vector<16xi32> to vector<16x1xi32>
    %gather3A_31 = vector.shape_cast %reshape3A_30 : vector<16x1xi32> to vector<16xi32>
    %gather3A_32 = tpu.dynamic_gather %add3A_25[%gather3A_31] in [0] : vector<16xf32>, vector<16xi32> -> vector<16xf32>
    %add3A_33 = arith.addf %add3A_25, %gather3A_32 : vector<16xf32>
    %iota3A_34 = tpu.iota {dimensions = array<i32: 0>} : vector<16xi32>
    %xor3A_35 = arith.constant 8 : i32
    %xor3A_36 = vector.broadcast %xor3A_35 : i32 to vector<16xi32>
    %xor3A_37 = arith.xori %iota3A_34, %xor3A_36 : vector<16xi32>
    %reshape3A_38 = vector.shape_cast %xor3A_37 : vector<16xi32> to vector<16x1xi32>
    %gather3A_39 = vector.shape_cast %reshape3A_38 : vector<16x1xi32> to vector<16xi32>
    %gather3A_40 = tpu.dynamic_gather %add3A_33[%gather3A_39] in [0] : vector<16xf32>, vector<16xi32> -> vector<16xf32>
    %add3A_41 = arith.addf %add3A_33, %gather3A_40 : vector<16xf32>
    %div3A = arith.divf %exp3A, %add3A_41 : vector<16xf32>
    %div3A_42 = arith.divf %exp3A_8, %add3A_41 : vector<16xf32>
    %div3A_43 = arith.divf %exp3A_9, %add3A_41 : vector<16xf32>
    %div3A_44 = arith.divf %exp3A_10, %add3A_41 : vector<16xf32>
    %sort3A = arith.constant dense<true> : vector<16xi1>
    %sort3A_45, %sort3A_46, %sort3A_47 = tpu.sort %div3A, %div3A masked %sort3A : (vector<16xf32>, vector<16xf32>, vector<16xi1>) -> (vector<16xi1>, vector<16xf32>, vector<16xf32>)
    %neg3A = arith.constant 0.000000e+00 : f32
    %neg3A_48 = vector.broadcast %neg3A : f32 to vector<16xf32>
    %neg3A_49 = arith.subf %neg3A_48, %div3A_42 : vector<16xf32>
    %sort3A_50 = arith.constant dense<true> : vector<16xi1>
    %sort3A_51, %sort3A_52, %sort3A_53 = tpu.sort %neg3A_49, %neg3A_49 masked %sort3A_50 : (vector<16xf32>, vector<16xf32>, vector<16xi1>) -> (vector<16xi1>, vector<16xf32>, vector<16xf32>)
    %neg3A_54 = arith.constant 0.000000e+00 : f32
    %neg3A_55 = vector.broadcast %neg3A_54 : f32 to vector<16xf32>
    %neg3A_56 = arith.subf %neg3A_55, %sort3A_52 : vector<16xf32>
    %min3A = arith.minimumf %sort3A_46, %neg3A_56 : vector<16xf32>
    %max3A = arith.maximumf %sort3A_46, %neg3A_56 : vector<16xf32>
    %sort3A_57 = arith.constant dense<true> : vector<16xi1>
    %sort3A_58, %sort3A_59, %sort3A_60 = tpu.sort %min3A, %min3A masked %sort3A_57 : (vector<16xf32>, vector<16xf32>, vector<16xi1>) -> (vector<16xi1>, vector<16xf32>, vector<16xf32>)
    %sort3A_61 = arith.constant dense<true> : vector<16xi1>
    %sort3A_62, %sort3A_63, %sort3A_64 = tpu.sort %max3A, %max3A masked %sort3A_61 : (vector<16xf32>, vector<16xf32>, vector<16xi1>) -> (vector<16xi1>, vector<16xf32>, vector<16xf32>)
    %sort3A_65 = arith.constant dense<true> : vector<16xi1>
    %sort3A_66, %sort3A_67, %sort3A_68 = tpu.sort %div3A_43, %div3A_43 masked %sort3A_65 : (vector<16xf32>, vector<16xf32>, vector<16xi1>) -> (vector<16xi1>, vector<16xf32>, vector<16xf32>)
    %neg3A_69 = arith.constant 0.000000e+00 : f32
    %neg3A_70 = vector.broadcast %neg3A_69 : f32 to vector<16xf32>
    %neg3A_71 = arith.subf %neg3A_70, %div3A_44 : vector<16xf32>
    %sort3A_72 = arith.constant dense<true> : vector<16xi1>
    %sort3A_73, %sort3A_74, %sort3A_75 = tpu.sort %neg3A_71, %neg3A_71 masked %sort3A_72 : (vector<16xf32>, vector<16xf32>, vector<16xi1>) -> (vector<16xi1>, vector<16xf32>, vector<16xf32>)
    %neg3A_76 = arith.constant 0.000000e+00 : f32
    %neg3A_77 = vector.broadcast %neg3A_76 : f32 to vector<16xf32>
    %neg3A_78 = arith.subf %neg3A_77, %sort3A_74 : vector<16xf32>
    %min3A_79 = arith.minimumf %sort3A_67, %neg3A_78 : vector<16xf32>
    %max3A_80 = arith.maximumf %sort3A_67, %neg3A_78 : vector<16xf32>
    %neg3A_81 = arith.constant 0.000000e+00 : f32
    %neg3A_82 = vector.broadcast %neg3A_81 : f32 to vector<16xf32>
    %neg3A_83 = arith.subf %neg3A_82, %max3A_80 : vector<16xf32>
    %sort3A_84 = arith.constant dense<true> : vector<16xi1>
    %sort3A_85, %sort3A_86, %sort3A_87 = tpu.sort %neg3A_83, %neg3A_83 masked %sort3A_84 : (vector<16xf32>, vector<16xf32>, vector<16xi1>) -> (vector<16xi1>, vector<16xf32>, vector<16xf32>)
    %neg3A_88 = arith.constant 0.000000e+00 : f32
    %neg3A_89 = vector.broadcast %neg3A_88 : f32 to vector<16xf32>
    %neg3A_90 = arith.subf %neg3A_89, %sort3A_86 : vector<16xf32>
    %neg3A_91 = arith.constant 0.000000e+00 : f32
    %neg3A_92 = vector.broadcast %neg3A_91 : f32 to vector<16xf32>
    %neg3A_93 = arith.subf %neg3A_92, %min3A_79 : vector<16xf32>
    %sort3A_94 = arith.constant dense<true> : vector<16xi1>
    %sort3A_95, %sort3A_96, %sort3A_97 = tpu.sort %neg3A_93, %neg3A_93 masked %sort3A_94 : (vector<16xf32>, vector<16xf32>, vector<16xi1>) -> (vector<16xi1>, vector<16xf32>, vector<16xf32>)
    %neg3A_98 = arith.constant 0.000000e+00 : f32
    %neg3A_99 = vector.broadcast %neg3A_98 : f32 to vector<16xf32>
    %neg3A_100 = arith.subf %neg3A_99, %sort3A_96 : vector<16xf32>
    %min3A_101 = arith.minimumf %sort3A_59, %neg3A_90 : vector<16xf32>
    %min3A_102 = arith.minimumf %sort3A_63, %neg3A_100 : vector<16xf32>
    %max3A_103 = arith.maximumf %sort3A_59, %neg3A_90 : vector<16xf32>
    %max3A_104 = arith.maximumf %sort3A_63, %neg3A_100 : vector<16xf32>
    %min3A_105 = arith.minimumf %min3A_101, %min3A_102 : vector<16xf32>
    %sort3A_106 = arith.constant dense<true> : vector<16xi1>
    %sort3A_107, %sort3A_108, %sort3A_109 = tpu.sort %min3A_105, %min3A_105 masked %sort3A_106 : (vector<16xf32>, vector<16xf32>, vector<16xi1>) -> (vector<16xi1>, vector<16xf32>, vector<16xf32>)
    %max3A_110 = arith.maximumf %min3A_101, %min3A_102 : vector<16xf32>
    %sort3A_111 = arith.constant dense<true> : vector<16xi1>
    %sort3A_112, %sort3A_113, %sort3A_114 = tpu.sort %max3A_110, %max3A_110 masked %sort3A_111 : (vector<16xf32>, vector<16xf32>, vector<16xi1>) -> (vector<16xi1>, vector<16xf32>, vector<16xf32>)
    %min3A_115 = arith.minimumf %max3A_103, %max3A_104 : vector<16xf32>
    %sort3A_116 = arith.constant dense<true> : vector<16xi1>
    %sort3A_117, %sort3A_118, %sort3A_119 = tpu.sort %min3A_115, %min3A_115 masked %sort3A_116 : (vector<16xf32>, vector<16xf32>, vector<16xi1>) -> (vector<16xi1>, vector<16xf32>, vector<16xf32>)
    %max3A_120 = arith.maximumf %max3A_103, %max3A_104 : vector<16xf32>
    %sort3A_121 = arith.constant dense<true> : vector<16xi1>
    %sort3A_122, %sort3A_123, %sort3A_124 = tpu.sort %max3A_120, %max3A_120 masked %sort3A_121 : (vector<16xf32>, vector<16xf32>, vector<16xi1>) -> (vector<16xi1>, vector<16xf32>, vector<16xf32>)
    %scan3A = arith.constant 0 : i32
    %scan3A_125 = arith.constant 0 : i32
    %scan3A_126 = arith.constant 16 : i32
    %scan3A_127 = arith.addi %scan3A_125, %scan3A_126 : i32
    %scan3A_128 = arith.constant 1 : i32
    scf.for %scan3A_330 = %scan3A_125 to %scan3A_127 step %scan3A_128  : i32 {
      %broadcast_in_dim3A = arith.constant 0.000000e+00 : f32
      %broadcast_in_dim3A_331 = vector.broadcast %broadcast_in_dim3A : f32 to vector<16xf32>
      %swap3A = arith.index_cast %scan3A_330 : i32 to index
      %swap3A_332 = arith.constant 0 : index
      %swap3A_333 = tpu.vector_load %arg14[%swap3A, %swap3A_332] {strides = array<i32>} : memref<16x256xf32, #tpu.memory_space<vmem>>, vector<16xf32>,
      tpu.vector_store %arg14[%swap3A, %swap3A_332], %broadcast_in_dim3A_331 {strides = array<i32>} : memref<16x256xf32, #tpu.memory_space<vmem>>, vector<16xf32>,
      %broadcast_in_dim3A_334 = arith.constant 0.000000e+00 : f32
      %broadcast_in_dim3A_335 = vector.broadcast %broadcast_in_dim3A_334 : f32 to vector<16xf32>
      %swap3A_336 = arith.index_cast %scan3A_330 : i32 to index
      %swap3A_337 = arith.constant 16 : index
      %swap3A_338 = tpu.vector_load %arg14[%swap3A_336, %swap3A_337] {strides = array<i32>} : memref<16x256xf32, #tpu.memory_space<vmem>>, vector<16xf32>,
      tpu.vector_store %arg14[%swap3A_336, %swap3A_337], %broadcast_in_dim3A_335 {strides = array<i32>} : memref<16x256xf32, #tpu.memory_space<vmem>>, vector<16xf32>,
      %broadcast_in_dim3A_339 = arith.constant 0.000000e+00 : f32
      %broadcast_in_dim3A_340 = vector.broadcast %broadcast_in_dim3A_339 : f32 to vector<16xf32>
      %swap3A_341 = arith.index_cast %scan3A_330 : i32 to index
      %swap3A_342 = arith.constant 32 : index
      %swap3A_343 = tpu.vector_load %arg14[%swap3A_341, %swap3A_342] {strides = array<i32>} : memref<16x256xf32, #tpu.memory_space<vmem>>, vector<16xf32>,
      tpu.vector_store %arg14[%swap3A_341, %swap3A_342], %broadcast_in_dim3A_340 {strides = array<i32>} : memref<16x256xf32, #tpu.memory_space<vmem>>, vector<16xf32>,
      %broadcast_in_dim3A_344 = arith.constant 0.000000e+00 : f32
      %broadcast_in_dim3A_345 = vector.broadcast %broadcast_in_dim3A_344 : f32 to vector<16xf32>
      %swap3A_346 = arith.index_cast %scan3A_330 : i32 to index
      %swap3A_347 = arith.constant 48 : index
      %swap3A_348 = tpu.vector_load %arg14[%swap3A_346, %swap3A_347] {strides = array<i32>} : memref<16x256xf32, #tpu.memory_space<vmem>>, vector<16xf32>,
      tpu.vector_store %arg14[%swap3A_346, %swap3A_347], %broadcast_in_dim3A_345 {strides = array<i32>} : memref<16x256xf32, #tpu.memory_space<vmem>>, vector<16xf32>,
      %broadcast_in_dim3A_349 = arith.constant 0.000000e+00 : f32
      %broadcast_in_dim3A_350 = vector.broadcast %broadcast_in_dim3A_349 : f32 to vector<16xf32>
      %swap3A_351 = arith.index_cast %scan3A_330 : i32 to index
      %swap3A_352 = arith.constant 64 : index
      %swap3A_353 = tpu.vector_load %arg14[%swap3A_351, %swap3A_352] {strides = array<i32>} : memref<16x256xf32, #tpu.memory_space<vmem>>, vector<16xf32>,
      tpu.vector_store %arg14[%swap3A_351, %swap3A_352], %broadcast_in_dim3A_350 {strides = array<i32>} : memref<16x256xf32, #tpu.memory_space<vmem>>, vector<16xf32>,
      %broadcast_in_dim3A_354 = arith.constant 0.000000e+00 : f32
      %broadcast_in_dim3A_355 = vector.broadcast %broadcast_in_dim3A_354 : f32 to vector<16xf32>
      %swap3A_356 = arith.index_cast %scan3A_330 : i32 to index
      %swap3A_357 = arith.constant 80 : index
      %swap3A_358 = tpu.vector_load %arg14[%swap3A_356, %swap3A_357] {strides = array<i32>} : memref<16x256xf32, #tpu.memory_space<vmem>>, vector<16xf32>,
      tpu.vector_store %arg14[%swap3A_356, %swap3A_357], %broadcast_in_dim3A_355 {strides = array<i32>} : memref<16x256xf32, #tpu.memory_space<vmem>>, vector<16xf32>,
      %broadcast_in_dim3A_359 = arith.constant 0.000000e+00 : f32
      %broadcast_in_dim3A_360 = vector.broadcast %broadcast_in_dim3A_359 : f32 to vector<16xf32>
      %swap3A_361 = arith.index_cast %scan3A_330 : i32 to index
      %swap3A_362 = arith.constant 96 : index
      %swap3A_363 = tpu.vector_load %arg14[%swap3A_361, %swap3A_362] {strides = array<i32>} : memref<16x256xf32, #tpu.memory_space<vmem>>, vector<16xf32>,
      tpu.vector_store %arg14[%swap3A_361, %swap3A_362], %broadcast_in_dim3A_360 {strides = array<i32>} : memref<16x256xf32, #tpu.memory_space<vmem>>, vector<16xf32>,
      %broadcast_in_dim3A_364 = arith.constant 0.000000e+00 : f32
      %broadcast_in_dim3A_365 = vector.broadcast %broadcast_in_dim3A_364 : f32 to vector<16xf32>
      %swap3A_366 = arith.index_cast %scan3A_330 : i32 to index
      %swap3A_367 = arith.constant 112 : index
      %swap3A_368 = tpu.vector_load %arg14[%swap3A_366, %swap3A_367] {strides = array<i32>} : memref<16x256xf32, #tpu.memory_space<vmem>>, vector<16xf32>,
      tpu.vector_store %arg14[%swap3A_366, %swap3A_367], %broadcast_in_dim3A_365 {strides = array<i32>} : memref<16x256xf32, #tpu.memory_space<vmem>>, vector<16xf32>,
      %broadcast_in_dim3A_369 = arith.constant 0.000000e+00 : f32
      %broadcast_in_dim3A_370 = vector.broadcast %broadcast_in_dim3A_369 : f32 to vector<16xf32>
      %swap3A_371 = arith.index_cast %scan3A_330 : i32 to index
      %swap3A_372 = arith.constant 128 : index
      %swap3A_373 = tpu.vector_load %arg14[%swap3A_371, %swap3A_372] {strides = array<i32>} : memref<16x256xf32, #tpu.memory_space<vmem>>, vector<16xf32>,
      tpu.vector_store %arg14[%swap3A_371, %swap3A_372], %broadcast_in_dim3A_370 {strides = array<i32>} : memref<16x256xf32, #tpu.memory_space<vmem>>, vector<16xf32>,
      %broadcast_in_dim3A_374 = arith.constant 0.000000e+00 : f32
      %broadcast_in_dim3A_375 = vector.broadcast %broadcast_in_dim3A_374 : f32 to vector<16xf32>
      %swap3A_376 = arith.index_cast %scan3A_330 : i32 to index
      %swap3A_377 = arith.constant 144 : index
      %swap3A_378 = tpu.vector_load %arg14[%swap3A_376, %swap3A_377] {strides = array<i32>} : memref<16x256xf32, #tpu.memory_space<vmem>>, vector<16xf32>,
      tpu.vector_store %arg14[%swap3A_376, %swap3A_377], %broadcast_in_dim3A_375 {strides = array<i32>} : memref<16x256xf32, #tpu.memory_space<vmem>>, vector<16xf32>,
      %broadcast_in_dim3A_379 = arith.constant 0.000000e+00 : f32
      %broadcast_in_dim3A_380 = vector.broadcast %broadcast_in_dim3A_379 : f32 to vector<16xf32>
      %swap3A_381 = arith.index_cast %scan3A_330 : i32 to index
      %swap3A_382 = arith.constant 160 : index
      %swap3A_383 = tpu.vector_load %arg14[%swap3A_381, %swap3A_382] {strides = array<i32>} : memref<16x256xf32, #tpu.memory_space<vmem>>, vector<16xf32>,
      tpu.vector_store %arg14[%swap3A_381, %swap3A_382], %broadcast_in_dim3A_380 {strides = array<i32>} : memref<16x256xf32, #tpu.memory_space<vmem>>, vector<16xf32>,
      %broadcast_in_dim3A_384 = arith.constant 0.000000e+00 : f32
      %broadcast_in_dim3A_385 = vector.broadcast %broadcast_in_dim3A_384 : f32 to vector<16xf32>
      %swap3A_386 = arith.index_cast %scan3A_330 : i32 to index
      %swap3A_387 = arith.constant 176 : index
      %swap3A_388 = tpu.vector_load %arg14[%swap3A_386, %swap3A_387] {strides = array<i32>} : memref<16x256xf32, #tpu.memory_space<vmem>>, vector<16xf32>,
      tpu.vector_store %arg14[%swap3A_386, %swap3A_387], %broadcast_in_dim3A_385 {strides = array<i32>} : memref<16x256xf32, #tpu.memory_space<vmem>>, vector<16xf32>,
      %broadcast_in_dim3A_389 = arith.constant 0.000000e+00 : f32
      %broadcast_in_dim3A_390 = vector.broadcast %broadcast_in_dim3A_389 : f32 to vector<16xf32>
      %swap3A_391 = arith.index_cast %scan3A_330 : i32 to index
      %swap3A_392 = arith.constant 192 : index
      %swap3A_393 = tpu.vector_load %arg14[%swap3A_391, %swap3A_392] {strides = array<i32>} : memref<16x256xf32, #tpu.memory_space<vmem>>, vector<16xf32>,
      tpu.vector_store %arg14[%swap3A_391, %swap3A_392], %broadcast_in_dim3A_390 {strides = array<i32>} : memref<16x256xf32, #tpu.memory_space<vmem>>, vector<16xf32>,
      %broadcast_in_dim3A_394 = arith.constant 0.000000e+00 : f32
      %broadcast_in_dim3A_395 = vector.broadcast %broadcast_in_dim3A_394 : f32 to vector<16xf32>
      %swap3A_396 = arith.index_cast %scan3A_330 : i32 to index
      %swap3A_397 = arith.constant 208 : index
      %swap3A_398 = tpu.vector_load %arg14[%swap3A_396, %swap3A_397] {strides = array<i32>} : memref<16x256xf32, #tpu.memory_space<vmem>>, vector<16xf32>,
      tpu.vector_store %arg14[%swap3A_396, %swap3A_397], %broadcast_in_dim3A_395 {strides = array<i32>} : memref<16x256xf32, #tpu.memory_space<vmem>>, vector<16xf32>,
      %broadcast_in_dim3A_399 = arith.constant 0.000000e+00 : f32
      %broadcast_in_dim3A_400 = vector.broadcast %broadcast_in_dim3A_399 : f32 to vector<16xf32>
      %swap3A_401 = arith.index_cast %scan3A_330 : i32 to index
      %swap3A_402 = arith.constant 224 : index
      %swap3A_403 = tpu.vector_load %arg14[%swap3A_401, %swap3A_402] {strides = array<i32>} : memref<16x256xf32, #tpu.memory_space<vmem>>, vector<16xf32>,
      tpu.vector_store %arg14[%swap3A_401, %swap3A_402], %broadcast_in_dim3A_400 {strides = array<i32>} : memref<16x256xf32, #tpu.memory_space<vmem>>, vector<16xf32>,
      %broadcast_in_dim3A_404 = arith.constant 0.000000e+00 : f32
      %broadcast_in_dim3A_405 = vector.broadcast %broadcast_in_dim3A_404 : f32 to vector<16xf32>
      %swap3A_406 = arith.index_cast %scan3A_330 : i32 to index
      %swap3A_407 = arith.constant 240 : index
      %swap3A_408 = tpu.vector_load %arg14[%swap3A_406, %swap3A_407] {strides = array<i32>} : memref<16x256xf32, #tpu.memory_space<vmem>>, vector<16xf32>,
      tpu.vector_store %arg14[%swap3A_406, %swap3A_407], %broadcast_in_dim3A_405 {strides = array<i32>} : memref<16x256xf32, #tpu.memory_space<vmem>>, vector<16xf32>,
    }
    %scan3A_129 = arith.constant 16 : i32
    %mul3A_130 = arith.constant 1024 : i32
    %mul3A_131 = arith.muli %add3A, %mul3A_130 : i32
    %iota3A_132 = tpu.iota {dimensions = array<i32: 0>} : vector<16xi32>
    %add3A_133 = arith.constant 0 : i32
    %add3A_134 = arith.addi %mul3A_131, %add3A_133 : i32
    %dma_start3A = arith.constant 0 : i32
    %dma_start3A_135 = tpu.memref_slice %arg2[%add3A_134, %dma_start3A] : memref<32768x256xf32, #tpu.memory_space<hbm>> -> memref<128x256xf32, #tpu.memory_space<hbm>>
    %dma_start3A_136 = arith.constant 0 : i32
    %dma_start3A_137 = tpu.memref_slice %arg2[%add3A_134, %dma_start3A_136] : memref<32768x256xf32, #tpu.memory_space<hbm>> -> memref<128x256xf32, #tpu.memory_space<hbm>>
    tpu.enqueue_dma source(%dma_start3A_137 : memref<128x256xf32, #tpu.memory_space<hbm>>) target(%arg7 : memref<128x256xf32, #tpu.memory_space<vmem>>) target_semaphore(%arg15 : memref<!tpu.dma_semaphore, #tpu.memory_space<semaphore_mem>>)
    %dma_start3A_138 = arith.constant 0 : i32
    %dma_start3A_139 = tpu.memref_slice %arg3[%add3A_134, %dma_start3A_138] : memref<32768x64xf32, #tpu.memory_space<hbm>> -> memref<128x64xf32, #tpu.memory_space<hbm>>
    %dma_start3A_140 = arith.constant 0 : i32
    %dma_start3A_141 = tpu.memref_slice %arg3[%add3A_134, %dma_start3A_140] : memref<32768x64xf32, #tpu.memory_space<hbm>> -> memref<128x64xf32, #tpu.memory_space<hbm>>
    tpu.enqueue_dma source(%dma_start3A_141 : memref<128x64xf32, #tpu.memory_space<hbm>>) target(%arg9 : memref<128x64xf32, #tpu.memory_space<vmem>>) target_semaphore(%arg15 : memref<!tpu.dma_semaphore, #tpu.memory_space<semaphore_mem>>)
    %dma_start3A_142 = tpu.memref_slice %arg5[%add3A_134] : memref<32768xi32, #tpu.memory_space<hbm>> -> memref<128xi32, #tpu.memory_space<hbm>>
    %dma_start3A_143 = tpu.memref_slice %arg5[%add3A_134] : memref<32768xi32, #tpu.memory_space<hbm>> -> memref<128xi32, #tpu.memory_space<hbm>>
    tpu.enqueue_dma source(%dma_start3A_143 : memref<128xi32, #tpu.memory_space<hbm>>) target(%arg11 : memref<128xi32, #tpu.memory_space<vmem>>) target_semaphore(%arg15 : memref<!tpu.dma_semaphore, #tpu.memory_space<semaphore_mem>>)
    %add3A_144 = arith.constant 128 : i32
    %add3A_145 = arith.addi %mul3A_131, %add3A_144 : i32
    %dma_start3A_146 = arith.constant 0 : i32
    %dma_start3A_147 = tpu.memref_slice %arg2[%add3A_145, %dma_start3A_146] : memref<32768x256xf32, #tpu.memory_space<hbm>> -> memref<128x256xf32, #tpu.memory_space<hbm>>
    %dma_start3A_148 = arith.constant 0 : i32
    %dma_start3A_149 = tpu.memref_slice %arg2[%add3A_145, %dma_start3A_148] : memref<32768x256xf32, #tpu.memory_space<hbm>> -> memref<128x256xf32, #tpu.memory_space<hbm>>
    tpu.enqueue_dma source(%dma_start3A_149 : memref<128x256xf32, #tpu.memory_space<hbm>>) target(%arg8 : memref<128x256xf32, #tpu.memory_space<vmem>>) target_semaphore(%arg16 : memref<!tpu.dma_semaphore, #tpu.memory_space<semaphore_mem>>)
    %dma_start3A_150 = arith.constant 0 : i32
    %dma_start3A_151 = tpu.memref_slice %arg3[%add3A_145, %dma_start3A_150] : memref<32768x64xf32, #tpu.memory_space<hbm>> -> memref<128x64xf32, #tpu.memory_space<hbm>>
    %dma_start3A_152 = arith.constant 0 : i32
    %dma_start3A_153 = tpu.memref_slice %arg3[%add3A_145, %dma_start3A_152] : memref<32768x64xf32, #tpu.memory_space<hbm>> -> memref<128x64xf32, #tpu.memory_space<hbm>>
    tpu.enqueue_dma source(%dma_start3A_153 : memref<128x64xf32, #tpu.memory_space<hbm>>) target(%arg10 : memref<128x64xf32, #tpu.memory_space<vmem>>) target_semaphore(%arg16 : memref<!tpu.dma_semaphore, #tpu.memory_space<semaphore_mem>>)
    %dma_start3A_154 = tpu.memref_slice %arg5[%add3A_145] : memref<32768xi32, #tpu.memory_space<hbm>> -> memref<128xi32, #tpu.memory_space<hbm>>
    %dma_start3A_155 = tpu.memref_slice %arg5[%add3A_145] : memref<32768xi32, #tpu.memory_space<hbm>> -> memref<128xi32, #tpu.memory_space<hbm>>
    tpu.enqueue_dma source(%dma_start3A_155 : memref<128xi32, #tpu.memory_space<hbm>>) target(%arg12 : memref<128xi32, #tpu.memory_space<vmem>>) target_semaphore(%arg16 : memref<!tpu.dma_semaphore, #tpu.memory_space<semaphore_mem>>)
    %dma_wait3A = arith.constant 0 : i32
    %dma_wait3A_156 = tpu.memref_slice %arg2[%add3A_134, %dma_wait3A] : memref<32768x256xf32, #tpu.memory_space<hbm>> -> memref<128x256xf32, #tpu.memory_space<hbm>>
    %dma_wait3A_157 = arith.constant 0 : i32
    %dma_wait3A_158 = tpu.memref_slice %arg2[%add3A_134, %dma_wait3A_157] : memref<32768x256xf32, #tpu.memory_space<hbm>> -> memref<128x256xf32, #tpu.memory_space<hbm>>
    tpu.wait_dma2 semaphore(%arg15 : memref<!tpu.dma_semaphore, #tpu.memory_space<semaphore_mem>>) src(%dma_wait3A_158 : memref<128x256xf32, #tpu.memory_space<hbm>>) dst(%arg7 : memref<128x256xf32, #tpu.memory_space<vmem>>)
    %dma_wait3A_159 = arith.constant 0 : i32
    %dma_wait3A_160 = tpu.memref_slice %arg3[%add3A_134, %dma_wait3A_159] : memref<32768x64xf32, #tpu.memory_space<hbm>> -> memref<128x64xf32, #tpu.memory_space<hbm>>
    %dma_wait3A_161 = arith.constant 0 : i32
    %dma_wait3A_162 = tpu.memref_slice %arg3[%add3A_134, %dma_wait3A_161] : memref<32768x64xf32, #tpu.memory_space<hbm>> -> memref<128x64xf32, #tpu.memory_space<hbm>>
    tpu.wait_dma2 semaphore(%arg15 : memref<!tpu.dma_semaphore, #tpu.memory_space<semaphore_mem>>) src(%dma_wait3A_162 : memref<128x64xf32, #tpu.memory_space<hbm>>) dst(%arg9 : memref<128x64xf32, #tpu.memory_space<vmem>>)
    %dma_wait3A_163 = tpu.memref_slice %arg5[%add3A_134] : memref<32768xi32, #tpu.memory_space<hbm>> -> memref<128xi32, #tpu.memory_space<hbm>>
    %dma_wait3A_164 = tpu.memref_slice %arg5[%add3A_134] : memref<32768xi32, #tpu.memory_space<hbm>> -> memref<128xi32, #tpu.memory_space<hbm>>
    tpu.wait_dma2 semaphore(%arg15 : memref<!tpu.dma_semaphore, #tpu.memory_space<semaphore_mem>>) src(%dma_wait3A_164 : memref<128xi32, #tpu.memory_space<hbm>>) dst(%arg11 : memref<128xi32, #tpu.memory_space<vmem>>)
    %parallel_loop3A = arith.constant 0 : i32
    %parallel_loop3A_165 = arith.constant 16 : i32
    %parallel_loop3A_166 = arith.constant 1 : i32
    scf.for %parallel_loop3A_330 = %parallel_loop3A to %parallel_loop3A_165 step %parallel_loop3A_166  : i32 {
      %parallel_loop3A_331 = arith.index_cast %parallel_loop3A_330 : i32 to index
      %parallel_loop3A_332 = arith.constant 0 : index
      %parallel_loop3A_333 = tpu.vector_load %arg9[%parallel_loop3A_331, %parallel_loop3A_332] {strides = array<i32>} : memref<128x64xf32, #tpu.memory_space<vmem>>, vector<16xf32>,
      %parallel_loop3A_334 = arith.index_cast %parallel_loop3A_330 : i32 to index
      %parallel_loop3A_335 = arith.constant 16 : index
      %parallel_loop3A_336 = tpu.vector_load %arg9[%parallel_loop3A_334, %parallel_loop3A_335] {strides = array<i32>} : memref<128x64xf32, #tpu.memory_space<vmem>>, vector<16xf32>,
      %parallel_loop3A_337 = arith.index_cast %parallel_loop3A_330 : i32 to index
      %parallel_loop3A_338 = arith.constant 32 : index
      %parallel_loop3A_339 = tpu.vector_load %arg9[%parallel_loop3A_337, %parallel_loop3A_338] {strides = array<i32>} : memref<128x64xf32, #tpu.memory_space<vmem>>, vector<16xf32>,
      %parallel_loop3A_340 = arith.index_cast %parallel_loop3A_330 : i32 to index
      %parallel_loop3A_341 = arith.constant 48 : index
      %parallel_loop3A_342 = tpu.vector_load %arg9[%parallel_loop3A_340, %parallel_loop3A_341] {strides = array<i32>} : memref<128x64xf32, #tpu.memory_space<vmem>>, vector<16xf32>,
      %parallel_loop3A_343 = arith.addf %parallel_loop3A_333, %parallel_loop3A_336 : vector<16xf32>
      %parallel_loop3A_344 = arith.addf %parallel_loop3A_343, %parallel_loop3A_339 : vector<16xf32>
      %parallel_loop3A_345 = arith.addf %parallel_loop3A_344, %parallel_loop3A_342 : vector<16xf32>
      %parallel_loop3A_346 = vector.broadcast %parallel_loop3A_330 : i32 to vector<16xi32>
      %parallel_loop3A_347 = tpu.vector_load_idx %arg11[%parallel_loop3A_346] : memref<128xi32, #tpu.memory_space<vmem>>[vector<16xi32>], vector<16xi32>,
      %parallel_loop3A_348 = arith.index_cast %parallel_loop3A_330 : i32 to index
      %parallel_loop3A_349 = arith.constant 0 : index
      %parallel_loop3A_350 = tpu.vector_load %arg7[%parallel_loop3A_348, %parallel_loop3A_349] {strides = array<i32>} : memref<128x256xf32, #tpu.memory_space<vmem>>, vector<16xf32>,
      %parallel_loop3A_351 = arith.mulf %parallel_loop3A_350, %parallel_loop3A_345 : vector<16xf32>
      tpu.vector_store_idx %arg14[%parallel_loop3A_347, %iota3A_132], %parallel_loop3A_351 {add = true} : memref<16x256xf32, #tpu.memory_space<vmem>>[vector<16xi32>, vector<16xi32>], vector<16xf32>,
    } {sc.loop_unroll_factor = 2 : i64, sc.parallel_access}
    %add3A_167 = arith.constant 256 : i32
    %add3A_168 = arith.addi %mul3A_131, %add3A_167 : i32
    %dma_start3A_169 = arith.constant 0 : i32
    %dma_start3A_170 = tpu.memref_slice %arg2[%add3A_168, %dma_start3A_169] : memref<32768x256xf32, #tpu.memory_space<hbm>> -> memref<128x256xf32, #tpu.memory_space<hbm>>
    %dma_start3A_171 = arith.constant 0 : i32
    %dma_start3A_172 = tpu.memref_slice %arg2[%add3A_168, %dma_start3A_171] : memref<32768x256xf32, #tpu.memory_space<hbm>> -> memref<128x256xf32, #tpu.memory_space<hbm>>
    tpu.enqueue_dma source(%dma_start3A_172 : memref<128x256xf32, #tpu.memory_space<hbm>>) target(%arg7 : memref<128x256xf32, #tpu.memory_space<vmem>>) target_semaphore(%arg15 : memref<!tpu.dma_semaphore, #tpu.memory_space<semaphore_mem>>)
    %dma_start3A_173 = arith.constant 0 : i32
    %dma_start3A_174 = tpu.memref_slice %arg3[%add3A_168, %dma_start3A_173] : memref<32768x64xf32, #tpu.memory_space<hbm>> -> memref<128x64xf32, #tpu.memory_space<hbm>>
    %dma_start3A_175 = arith.constant 0 : i32
    %dma_start3A_176 = tpu.memref_slice %arg3[%add3A_168, %dma_start3A_175] : memref<32768x64xf32, #tpu.memory_space<hbm>> -> memref<128x64xf32, #tpu.memory_space<hbm>>
    tpu.enqueue_dma source(%dma_start3A_176 : memref<128x64xf32, #tpu.memory_space<hbm>>) target(%arg9 : memref<128x64xf32, #tpu.memory_space<vmem>>) target_semaphore(%arg15 : memref<!tpu.dma_semaphore, #tpu.memory_space<semaphore_mem>>)
    %dma_start3A_177 = tpu.memref_slice %arg5[%add3A_168] : memref<32768xi32, #tpu.memory_space<hbm>> -> memref<128xi32, #tpu.memory_space<hbm>>
    %dma_start3A_178 = tpu.memref_slice %arg5[%add3A_168] : memref<32768xi32, #tpu.memory_space<hbm>> -> memref<128xi32, #tpu.memory_space<hbm>>
    tpu.enqueue_dma source(%dma_start3A_178 : memref<128xi32, #tpu.memory_space<hbm>>) target(%arg11 : memref<128xi32, #tpu.memory_space<vmem>>) target_semaphore(%arg15 : memref<!tpu.dma_semaphore, #tpu.memory_space<semaphore_mem>>)
    %dma_wait3A_179 = arith.constant 0 : i32
    %dma_wait3A_180 = tpu.memref_slice %arg2[%add3A_145, %dma_wait3A_179] : memref<32768x256xf32, #tpu.memory_space<hbm>> -> memref<128x256xf32, #tpu.memory_space<hbm>>
    %dma_wait3A_181 = arith.constant 0 : i32
    %dma_wait3A_182 = tpu.memref_slice %arg2[%add3A_145, %dma_wait3A_181] : memref<32768x256xf32, #tpu.memory_space<hbm>> -> memref<128x256xf32, #tpu.memory_space<hbm>>
    tpu.wait_dma2 semaphore(%arg16 : memref<!tpu.dma_semaphore, #tpu.memory_space<semaphore_mem>>) src(%dma_wait3A_182 : memref<128x256xf32, #tpu.memory_space<hbm>>) dst(%arg8 : memref<128x256xf32, #tpu.memory_space<vmem>>)
    %dma_wait3A_183 = arith.constant 0 : i32
    %dma_wait3A_184 = tpu.memref_slice %arg3[%add3A_145, %dma_wait3A_183] : memref<32768x64xf32, #tpu.memory_space<hbm>> -> memref<128x64xf32, #tpu.memory_space<hbm>>
    %dma_wait3A_185 = arith.constant 0 : i32
    %dma_wait3A_186 = tpu.memref_slice %arg3[%add3A_145, %dma_wait3A_185] : memref<32768x64xf32, #tpu.memory_space<hbm>> -> memref<128x64xf32, #tpu.memory_space<hbm>>
    tpu.wait_dma2 semaphore(%arg16 : memref<!tpu.dma_semaphore, #tpu.memory_space<semaphore_mem>>) src(%dma_wait3A_186 : memref<128x64xf32, #tpu.memory_space<hbm>>) dst(%arg10 : memref<128x64xf32, #tpu.memory_space<vmem>>)
    %dma_wait3A_187 = tpu.memref_slice %arg5[%add3A_145] : memref<32768xi32, #tpu.memory_space<hbm>> -> memref<128xi32, #tpu.memory_space<hbm>>
    %dma_wait3A_188 = tpu.memref_slice %arg5[%add3A_145] : memref<32768xi32, #tpu.memory_space<hbm>> -> memref<128xi32, #tpu.memory_space<hbm>>
    tpu.wait_dma2 semaphore(%arg16 : memref<!tpu.dma_semaphore, #tpu.memory_space<semaphore_mem>>) src(%dma_wait3A_188 : memref<128xi32, #tpu.memory_space<hbm>>) dst(%arg12 : memref<128xi32, #tpu.memory_space<vmem>>)
    %parallel_loop3A_189 = arith.constant 0 : i32
    %parallel_loop3A_190 = arith.constant 16 : i32
    %parallel_loop3A_191 = arith.constant 1 : i32
    scf.for %parallel_loop3A_330 = %parallel_loop3A_189 to %parallel_loop3A_190 step %parallel_loop3A_191  : i32 {
      %parallel_loop3A_331 = arith.index_cast %parallel_loop3A_330 : i32 to index
      %parallel_loop3A_332 = arith.constant 0 : index
      %parallel_loop3A_333 = tpu.vector_load %arg10[%parallel_loop3A_331, %parallel_loop3A_332] {strides = array<i32>} : memref<128x64xf32, #tpu.memory_space<vmem>>, vector<16xf32>,
      %parallel_loop3A_334 = arith.index_cast %parallel_loop3A_330 : i32 to index
      %parallel_loop3A_335 = arith.constant 16 : index
      %parallel_loop3A_336 = tpu.vector_load %arg10[%parallel_loop3A_334, %parallel_loop3A_335] {strides = array<i32>} : memref<128x64xf32, #tpu.memory_space<vmem>>, vector<16xf32>,
      %parallel_loop3A_337 = arith.index_cast %parallel_loop3A_330 : i32 to index
      %parallel_loop3A_338 = arith.constant 32 : index
      %parallel_loop3A_339 = tpu.vector_load %arg10[%parallel_loop3A_337, %parallel_loop3A_338] {strides = array<i32>} : memref<128x64xf32, #tpu.memory_space<vmem>>, vector<16xf32>,
      %parallel_loop3A_340 = arith.index_cast %parallel_loop3A_330 : i32 to index
      %parallel_loop3A_341 = arith.constant 48 : index
      %parallel_loop3A_342 = tpu.vector_load %arg10[%parallel_loop3A_340, %parallel_loop3A_341] {strides = array<i32>} : memref<128x64xf32, #tpu.memory_space<vmem>>, vector<16xf32>,
      %parallel_loop3A_343 = arith.addf %parallel_loop3A_333, %parallel_loop3A_336 : vector<16xf32>
      %parallel_loop3A_344 = arith.addf %parallel_loop3A_343, %parallel_loop3A_339 : vector<16xf32>
      %parallel_loop3A_345 = arith.addf %parallel_loop3A_344, %parallel_loop3A_342 : vector<16xf32>
      %parallel_loop3A_346 = vector.broadcast %parallel_loop3A_330 : i32 to vector<16xi32>
      %parallel_loop3A_347 = tpu.vector_load_idx %arg12[%parallel_loop3A_346] : memref<128xi32, #tpu.memory_space<vmem>>[vector<16xi32>], vector<16xi32>,
      %parallel_loop3A_348 = arith.index_cast %parallel_loop3A_330 : i32 to index
      %parallel_loop3A_349 = arith.constant 0 : index
      %parallel_loop3A_350 = tpu.vector_load %arg8[%parallel_loop3A_348, %parallel_loop3A_349] {strides = array<i32>} : memref<128x256xf32, #tpu.memory_space<vmem>>, vector<16xf32>,
      %parallel_loop3A_351 = arith.mulf %parallel_loop3A_350, %parallel_loop3A_345 : vector<16xf32>
      tpu.vector_store_idx %arg14[%parallel_loop3A_347, %iota3A_132], %parallel_loop3A_351 {add = true} : memref<16x256xf32, #tpu.memory_space<vmem>>[vector<16xi32>, vector<16xi32>], vector<16xf32>,
    } {sc.loop_unroll_factor = 2 : i64, sc.parallel_access}
    %add3A_192 = arith.constant 384 : i32
    %add3A_193 = arith.addi %mul3A_131, %add3A_192 : i32
    %dma_start3A_194 = arith.constant 0 : i32
    %dma_start3A_195 = tpu.memref_slice %arg2[%add3A_193, %dma_start3A_194] : memref<32768x256xf32, #tpu.memory_space<hbm>> -> memref<128x256xf32, #tpu.memory_space<hbm>>
    %dma_start3A_196 = arith.constant 0 : i32
    %dma_start3A_197 = tpu.memref_slice %arg2[%add3A_193, %dma_start3A_196] : memref<32768x256xf32, #tpu.memory_space<hbm>> -> memref<128x256xf32, #tpu.memory_space<hbm>>
    tpu.enqueue_dma source(%dma_start3A_197 : memref<128x256xf32, #tpu.memory_space<hbm>>) target(%arg8 : memref<128x256xf32, #tpu.memory_space<vmem>>) target_semaphore(%arg16 : memref<!tpu.dma_semaphore, #tpu.memory_space<semaphore_mem>>)
    %dma_start3A_198 = arith.constant 0 : i32
    %dma_start3A_199 = tpu.memref_slice %arg3[%add3A_193, %dma_start3A_198] : memref<32768x64xf32, #tpu.memory_space<hbm>> -> memref<128x64xf32, #tpu.memory_space<hbm>>
    %dma_start3A_200 = arith.constant 0 : i32
    %dma_start3A_201 = tpu.memref_slice %arg3[%add3A_193, %dma_start3A_200] : memref<32768x64xf32, #tpu.memory_space<hbm>> -> memref<128x64xf32, #tpu.memory_space<hbm>>
    tpu.enqueue_dma source(%dma_start3A_201 : memref<128x64xf32, #tpu.memory_space<hbm>>) target(%arg10 : memref<128x64xf32, #tpu.memory_space<vmem>>) target_semaphore(%arg16 : memref<!tpu.dma_semaphore, #tpu.memory_space<semaphore_mem>>)
    %dma_start3A_202 = tpu.memref_slice %arg5[%add3A_193] : memref<32768xi32, #tpu.memory_space<hbm>> -> memref<128xi32, #tpu.memory_space<hbm>>
    %dma_start3A_203 = tpu.memref_slice %arg5[%add3A_193] : memref<32768xi32, #tpu.memory_space<hbm>> -> memref<128xi32, #tpu.memory_space<hbm>>
    tpu.enqueue_dma source(%dma_start3A_203 : memref<128xi32, #tpu.memory_space<hbm>>) target(%arg12 : memref<128xi32, #tpu.memory_space<vmem>>) target_semaphore(%arg16 : memref<!tpu.dma_semaphore, #tpu.memory_space<semaphore_mem>>)
    %dma_wait3A_204 = arith.constant 0 : i32
    %dma_wait3A_205 = tpu.memref_slice %arg2[%add3A_168, %dma_wait3A_204] : memref<32768x256xf32, #tpu.memory_space<hbm>> -> memref<128x256xf32, #tpu.memory_space<hbm>>
    %dma_wait3A_206 = arith.constant 0 : i32
    %dma_wait3A_207 = tpu.memref_slice %arg2[%add3A_168, %dma_wait3A_206] : memref<32768x256xf32, #tpu.memory_space<hbm>> -> memref<128x256xf32, #tpu.memory_space<hbm>>
    tpu.wait_dma2 semaphore(%arg15 : memref<!tpu.dma_semaphore, #tpu.memory_space<semaphore_mem>>) src(%dma_wait3A_207 : memref<128x256xf32, #tpu.memory_space<hbm>>) dst(%arg7 : memref<128x256xf32, #tpu.memory_space<vmem>>)
    %dma_wait3A_208 = arith.constant 0 : i32
    %dma_wait3A_209 = tpu.memref_slice %arg3[%add3A_168, %dma_wait3A_208] : memref<32768x64xf32, #tpu.memory_space<hbm>> -> memref<128x64xf32, #tpu.memory_space<hbm>>
    %dma_wait3A_210 = arith.constant 0 : i32
    %dma_wait3A_211 = tpu.memref_slice %arg3[%add3A_168, %dma_wait3A_210] : memref<32768x64xf32, #tpu.memory_space<hbm>> -> memref<128x64xf32, #tpu.memory_space<hbm>>
    tpu.wait_dma2 semaphore(%arg15 : memref<!tpu.dma_semaphore, #tpu.memory_space<semaphore_mem>>) src(%dma_wait3A_211 : memref<128x64xf32, #tpu.memory_space<hbm>>) dst(%arg9 : memref<128x64xf32, #tpu.memory_space<vmem>>)
    %dma_wait3A_212 = tpu.memref_slice %arg5[%add3A_168] : memref<32768xi32, #tpu.memory_space<hbm>> -> memref<128xi32, #tpu.memory_space<hbm>>
    %dma_wait3A_213 = tpu.memref_slice %arg5[%add3A_168] : memref<32768xi32, #tpu.memory_space<hbm>> -> memref<128xi32, #tpu.memory_space<hbm>>
    tpu.wait_dma2 semaphore(%arg15 : memref<!tpu.dma_semaphore, #tpu.memory_space<semaphore_mem>>) src(%dma_wait3A_213 : memref<128xi32, #tpu.memory_space<hbm>>) dst(%arg11 : memref<128xi32, #tpu.memory_space<vmem>>)
    %parallel_loop3A_214 = arith.constant 0 : i32
    %parallel_loop3A_215 = arith.constant 16 : i32
    %parallel_loop3A_216 = arith.constant 1 : i32
    scf.for %parallel_loop3A_330 = %parallel_loop3A_214 to %parallel_loop3A_215 step %parallel_loop3A_216  : i32 {
      %parallel_loop3A_331 = arith.index_cast %parallel_loop3A_330 : i32 to index
      %parallel_loop3A_332 = arith.constant 0 : index
      %parallel_loop3A_333 = tpu.vector_load %arg9[%parallel_loop3A_331, %parallel_loop3A_332] {strides = array<i32>} : memref<128x64xf32, #tpu.memory_space<vmem>>, vector<16xf32>,
      %parallel_loop3A_334 = arith.index_cast %parallel_loop3A_330 : i32 to index
      %parallel_loop3A_335 = arith.constant 16 : index
      %parallel_loop3A_336 = tpu.vector_load %arg9[%parallel_loop3A_334, %parallel_loop3A_335] {strides = array<i32>} : memref<128x64xf32, #tpu.memory_space<vmem>>, vector<16xf32>,
      %parallel_loop3A_337 = arith.index_cast %parallel_loop3A_330 : i32 to index
      %parallel_loop3A_338 = arith.constant 32 : index
      %parallel_loop3A_339 = tpu.vector_load %arg9[%parallel_loop3A_337, %parallel_loop3A_338] {strides = array<i32>} : memref<128x64xf32, #tpu.memory_space<vmem>>, vector<16xf32>,
      %parallel_loop3A_340 = arith.index_cast %parallel_loop3A_330 : i32 to index
      %parallel_loop3A_341 = arith.constant 48 : index
      %parallel_loop3A_342 = tpu.vector_load %arg9[%parallel_loop3A_340, %parallel_loop3A_341] {strides = array<i32>} : memref<128x64xf32, #tpu.memory_space<vmem>>, vector<16xf32>,
      %parallel_loop3A_343 = arith.addf %parallel_loop3A_333, %parallel_loop3A_336 : vector<16xf32>
      %parallel_loop3A_344 = arith.addf %parallel_loop3A_343, %parallel_loop3A_339 : vector<16xf32>
      %parallel_loop3A_345 = arith.addf %parallel_loop3A_344, %parallel_loop3A_342 : vector<16xf32>
      %parallel_loop3A_346 = vector.broadcast %parallel_loop3A_330 : i32 to vector<16xi32>
      %parallel_loop3A_347 = tpu.vector_load_idx %arg11[%parallel_loop3A_346] : memref<128xi32, #tpu.memory_space<vmem>>[vector<16xi32>], vector<16xi32>,
      %parallel_loop3A_348 = arith.index_cast %parallel_loop3A_330 : i32 to index
      %parallel_loop3A_349 = arith.constant 0 : index
      %parallel_loop3A_350 = tpu.vector_load %arg7[%parallel_loop3A_348, %parallel_loop3A_349] {strides = array<i32>} : memref<128x256xf32, #tpu.memory_space<vmem>>, vector<16xf32>,
      %parallel_loop3A_351 = arith.mulf %parallel_loop3A_350, %parallel_loop3A_345 : vector<16xf32>
      tpu.vector_store_idx %arg14[%parallel_loop3A_347, %iota3A_132], %parallel_loop3A_351 {add = true} : memref<16x256xf32, #tpu.memory_space<vmem>>[vector<16xi32>, vector<16xi32>], vector<16xf32>,
    } {sc.loop_unroll_factor = 2 : i64, sc.parallel_access}
    %add3A_217 = arith.constant 512 : i32
    %add3A_218 = arith.addi %mul3A_131, %add3A_217 : i32
    %dma_start3A_219 = arith.constant 0 : i32
    %dma_start3A_220 = tpu.memref_slice %arg2[%add3A_218, %dma_start3A_219] : memref<32768x256xf32, #tpu.memory_space<hbm>> -> memref<128x256xf32, #tpu.memory_space<hbm>>
    %dma_start3A_221 = arith.constant 0 : i32
    %dma_start3A_222 = tpu.memref_slice %arg2[%add3A_218, %dma_start3A_221] : memref<32768x256xf32, #tpu.memory_space<hbm>> -> memref<128x256xf32, #tpu.memory_space<hbm>>
    tpu.enqueue_dma source(%dma_start3A_222 : memref<128x256xf32, #tpu.memory_space<hbm>>) target(%arg7 : memref<128x256xf32, #tpu.memory_space<vmem>>) target_semaphore(%arg15 : memref<!tpu.dma_semaphore, #tpu.memory_space<semaphore_mem>>)
    %dma_start3A_223 = arith.constant 0 : i32
    %dma_start3A_224 = tpu.memref_slice %arg3[%add3A_218, %dma_start3A_223] : memref<32768x64xf32, #tpu.memory_space<hbm>> -> memref<128x64xf32, #tpu.memory_space<hbm>>
    %dma_start3A_225 = arith.constant 0 : i32
    %dma_start3A_226 = tpu.memref_slice %arg3[%add3A_218, %dma_start3A_225] : memref<32768x64xf32, #tpu.memory_space<hbm>> -> memref<128x64xf32, #tpu.memory_space<hbm>>
    tpu.enqueue_dma source(%dma_start3A_226 : memref<128x64xf32, #tpu.memory_space<hbm>>) target(%arg9 : memref<128x64xf32, #tpu.memory_space<vmem>>) target_semaphore(%arg15 : memref<!tpu.dma_semaphore, #tpu.memory_space<semaphore_mem>>)
    %dma_start3A_227 = tpu.memref_slice %arg5[%add3A_218] : memref<32768xi32, #tpu.memory_space<hbm>> -> memref<128xi32, #tpu.memory_space<hbm>>
    %dma_start3A_228 = tpu.memref_slice %arg5[%add3A_218] : memref<32768xi32, #tpu.memory_space<hbm>> -> memref<128xi32, #tpu.memory_space<hbm>>
    tpu.enqueue_dma source(%dma_start3A_228 : memref<128xi32, #tpu.memory_space<hbm>>) target(%arg11 : memref<128xi32, #tpu.memory_space<vmem>>) target_semaphore(%arg15 : memref<!tpu.dma_semaphore, #tpu.memory_space<semaphore_mem>>)
    %dma_wait3A_229 = arith.constant 0 : i32
    %dma_wait3A_230 = tpu.memref_slice %arg2[%add3A_193, %dma_wait3A_229] : memref<32768x256xf32, #tpu.memory_space<hbm>> -> memref<128x256xf32, #tpu.memory_space<hbm>>
    %dma_wait3A_231 = arith.constant 0 : i32
    %dma_wait3A_232 = tpu.memref_slice %arg2[%add3A_193, %dma_wait3A_231] : memref<32768x256xf32, #tpu.memory_space<hbm>> -> memref<128x256xf32, #tpu.memory_space<hbm>>
    tpu.wait_dma2 semaphore(%arg16 : memref<!tpu.dma_semaphore, #tpu.memory_space<semaphore_mem>>) src(%dma_wait3A_232 : memref<128x256xf32, #tpu.memory_space<hbm>>) dst(%arg8 : memref<128x256xf32, #tpu.memory_space<vmem>>)
    %dma_wait3A_233 = arith.constant 0 : i32
    %dma_wait3A_234 = tpu.memref_slice %arg3[%add3A_193, %dma_wait3A_233] : memref<32768x64xf32, #tpu.memory_space<hbm>> -> memref<128x64xf32, #tpu.memory_space<hbm>>
    %dma_wait3A_235 = arith.constant 0 : i32
    %dma_wait3A_236 = tpu.memref_slice %arg3[%add3A_193, %dma_wait3A_235] : memref<32768x64xf32, #tpu.memory_space<hbm>> -> memref<128x64xf32, #tpu.memory_space<hbm>>
    tpu.wait_dma2 semaphore(%arg16 : memref<!tpu.dma_semaphore, #tpu.memory_space<semaphore_mem>>) src(%dma_wait3A_236 : memref<128x64xf32, #tpu.memory_space<hbm>>) dst(%arg10 : memref<128x64xf32, #tpu.memory_space<vmem>>)
    %dma_wait3A_237 = tpu.memref_slice %arg5[%add3A_193] : memref<32768xi32, #tpu.memory_space<hbm>> -> memref<128xi32, #tpu.memory_space<hbm>>
    %dma_wait3A_238 = tpu.memref_slice %arg5[%add3A_193] : memref<32768xi32, #tpu.memory_space<hbm>> -> memref<128xi32, #tpu.memory_space<hbm>>
    tpu.wait_dma2 semaphore(%arg16 : memref<!tpu.dma_semaphore, #tpu.memory_space<semaphore_mem>>) src(%dma_wait3A_238 : memref<128xi32, #tpu.memory_space<hbm>>) dst(%arg12 : memref<128xi32, #tpu.memory_space<vmem>>)
    %parallel_loop3A_239 = arith.constant 0 : i32
    %parallel_loop3A_240 = arith.constant 16 : i32
    %parallel_loop3A_241 = arith.constant 1 : i32
    scf.for %parallel_loop3A_330 = %parallel_loop3A_239 to %parallel_loop3A_240 step %parallel_loop3A_241  : i32 {
      %parallel_loop3A_331 = arith.index_cast %parallel_loop3A_330 : i32 to index
      %parallel_loop3A_332 = arith.constant 0 : index
      %parallel_loop3A_333 = tpu.vector_load %arg10[%parallel_loop3A_331, %parallel_loop3A_332] {strides = array<i32>} : memref<128x64xf32, #tpu.memory_space<vmem>>, vector<16xf32>,
      %parallel_loop3A_334 = arith.index_cast %parallel_loop3A_330 : i32 to index
      %parallel_loop3A_335 = arith.constant 16 : index
      %parallel_loop3A_336 = tpu.vector_load %arg10[%parallel_loop3A_334, %parallel_loop3A_335] {strides = array<i32>} : memref<128x64xf32, #tpu.memory_space<vmem>>, vector<16xf32>,
      %parallel_loop3A_337 = arith.index_cast %parallel_loop3A_330 : i32 to index
      %parallel_loop3A_338 = arith.constant 32 : index
      %parallel_loop3A_339 = tpu.vector_load %arg10[%parallel_loop3A_337, %parallel_loop3A_338] {strides = array<i32>} : memref<128x64xf32, #tpu.memory_space<vmem>>, vector<16xf32>,
      %parallel_loop3A_340 = arith.index_cast %parallel_loop3A_330 : i32 to index
      %parallel_loop3A_341 = arith.constant 48 : index
      %parallel_loop3A_342 = tpu.vector_load %arg10[%parallel_loop3A_340, %parallel_loop3A_341] {strides = array<i32>} : memref<128x64xf32, #tpu.memory_space<vmem>>, vector<16xf32>,
      %parallel_loop3A_343 = arith.addf %parallel_loop3A_333, %parallel_loop3A_336 : vector<16xf32>
      %parallel_loop3A_344 = arith.addf %parallel_loop3A_343, %parallel_loop3A_339 : vector<16xf32>
      %parallel_loop3A_345 = arith.addf %parallel_loop3A_344, %parallel_loop3A_342 : vector<16xf32>
      %parallel_loop3A_346 = vector.broadcast %parallel_loop3A_330 : i32 to vector<16xi32>
      %parallel_loop3A_347 = tpu.vector_load_idx %arg12[%parallel_loop3A_346] : memref<128xi32, #tpu.memory_space<vmem>>[vector<16xi32>], vector<16xi32>,
      %parallel_loop3A_348 = arith.index_cast %parallel_loop3A_330 : i32 to index
      %parallel_loop3A_349 = arith.constant 0 : index
      %parallel_loop3A_350 = tpu.vector_load %arg8[%parallel_loop3A_348, %parallel_loop3A_349] {strides = array<i32>} : memref<128x256xf32, #tpu.memory_space<vmem>>, vector<16xf32>,
      %parallel_loop3A_351 = arith.mulf %parallel_loop3A_350, %parallel_loop3A_345 : vector<16xf32>
      tpu.vector_store_idx %arg14[%parallel_loop3A_347, %iota3A_132], %parallel_loop3A_351 {add = true} : memref<16x256xf32, #tpu.memory_space<vmem>>[vector<16xi32>, vector<16xi32>], vector<16xf32>,
    } {sc.loop_unroll_factor = 2 : i64, sc.parallel_access}
    %add3A_242 = arith.constant 640 : i32
    %add3A_243 = arith.addi %mul3A_131, %add3A_242 : i32
    %dma_start3A_244 = arith.constant 0 : i32
    %dma_start3A_245 = tpu.memref_slice %arg2[%add3A_243, %dma_start3A_244] : memref<32768x256xf32, #tpu.memory_space<hbm>> -> memref<128x256xf32, #tpu.memory_space<hbm>>
    %dma_start3A_246 = arith.constant 0 : i32
    %dma_start3A_247 = tpu.memref_slice %arg2[%add3A_243, %dma_start3A_246] : memref<32768x256xf32, #tpu.memory_space<hbm>> -> memref<128x256xf32, #tpu.memory_space<hbm>>
    tpu.enqueue_dma source(%dma_start3A_247 : memref<128x256xf32, #tpu.memory_space<hbm>>) target(%arg8 : memref<128x256xf32, #tpu.memory_space<vmem>>) target_semaphore(%arg16 : memref<!tpu.dma_semaphore, #tpu.memory_space<semaphore_mem>>)
    %dma_start3A_248 = arith.constant 0 : i32
    %dma_start3A_249 = tpu.memref_slice %arg3[%add3A_243, %dma_start3A_248] : memref<32768x64xf32, #tpu.memory_space<hbm>> -> memref<128x64xf32, #tpu.memory_space<hbm>>
    %dma_start3A_250 = arith.constant 0 : i32
    %dma_start3A_251 = tpu.memref_slice %arg3[%add3A_243, %dma_start3A_250] : memref<32768x64xf32, #tpu.memory_space<hbm>> -> memref<128x64xf32, #tpu.memory_space<hbm>>
    tpu.enqueue_dma source(%dma_start3A_251 : memref<128x64xf32, #tpu.memory_space<hbm>>) target(%arg10 : memref<128x64xf32, #tpu.memory_space<vmem>>) target_semaphore(%arg16 : memref<!tpu.dma_semaphore, #tpu.memory_space<semaphore_mem>>)
    %dma_start3A_252 = tpu.memref_slice %arg5[%add3A_243] : memref<32768xi32, #tpu.memory_space<hbm>> -> memref<128xi32, #tpu.memory_space<hbm>>
    %dma_start3A_253 = tpu.memref_slice %arg5[%add3A_243] : memref<32768xi32, #tpu.memory_space<hbm>> -> memref<128xi32, #tpu.memory_space<hbm>>
    tpu.enqueue_dma source(%dma_start3A_253 : memref<128xi32, #tpu.memory_space<hbm>>) target(%arg12 : memref<128xi32, #tpu.memory_space<vmem>>) target_semaphore(%arg16 : memref<!tpu.dma_semaphore, #tpu.memory_space<semaphore_mem>>)
    %dma_wait3A_254 = arith.constant 0 : i32
    %dma_wait3A_255 = tpu.memref_slice %arg2[%add3A_218, %dma_wait3A_254] : memref<32768x256xf32, #tpu.memory_space<hbm>> -> memref<128x256xf32, #tpu.memory_space<hbm>>
    %dma_wait3A_256 = arith.constant 0 : i32
    %dma_wait3A_257 = tpu.memref_slice %arg2[%add3A_218, %dma_wait3A_256] : memref<32768x256xf32, #tpu.memory_space<hbm>> -> memref<128x256xf32, #tpu.memory_space<hbm>>
    tpu.wait_dma2 semaphore(%arg15 : memref<!tpu.dma_semaphore, #tpu.memory_space<semaphore_mem>>) src(%dma_wait3A_257 : memref<128x256xf32, #tpu.memory_space<hbm>>) dst(%arg7 : memref<128x256xf32, #tpu.memory_space<vmem>>)
    %dma_wait3A_258 = arith.constant 0 : i32
    %dma_wait3A_259 = tpu.memref_slice %arg3[%add3A_218, %dma_wait3A_258] : memref<32768x64xf32, #tpu.memory_space<hbm>> -> memref<128x64xf32, #tpu.memory_space<hbm>>
    %dma_wait3A_260 = arith.constant 0 : i32
    %dma_wait3A_261 = tpu.memref_slice %arg3[%add3A_218, %dma_wait3A_260] : memref<32768x64xf32, #tpu.memory_space<hbm>> -> memref<128x64xf32, #tpu.memory_space<hbm>>
    tpu.wait_dma2 semaphore(%arg15 : memref<!tpu.dma_semaphore, #tpu.memory_space<semaphore_mem>>) src(%dma_wait3A_261 : memref<128x64xf32, #tpu.memory_space<hbm>>) dst(%arg9 : memref<128x64xf32, #tpu.memory_space<vmem>>)
    %dma_wait3A_262 = tpu.memref_slice %arg5[%add3A_218] : memref<32768xi32, #tpu.memory_space<hbm>> -> memref<128xi32, #tpu.memory_space<hbm>>
    %dma_wait3A_263 = tpu.memref_slice %arg5[%add3A_218] : memref<32768xi32, #tpu.memory_space<hbm>> -> memref<128xi32, #tpu.memory_space<hbm>>
    tpu.wait_dma2 semaphore(%arg15 : memref<!tpu.dma_semaphore, #tpu.memory_space<semaphore_mem>>) src(%dma_wait3A_263 : memref<128xi32, #tpu.memory_space<hbm>>) dst(%arg11 : memref<128xi32, #tpu.memory_space<vmem>>)
    %parallel_loop3A_264 = arith.constant 0 : i32
    %parallel_loop3A_265 = arith.constant 16 : i32
    %parallel_loop3A_266 = arith.constant 1 : i32
    scf.for %parallel_loop3A_330 = %parallel_loop3A_264 to %parallel_loop3A_265 step %parallel_loop3A_266  : i32 {
      %parallel_loop3A_331 = arith.index_cast %parallel_loop3A_330 : i32 to index
      %parallel_loop3A_332 = arith.constant 0 : index
      %parallel_loop3A_333 = tpu.vector_load %arg9[%parallel_loop3A_331, %parallel_loop3A_332] {strides = array<i32>} : memref<128x64xf32, #tpu.memory_space<vmem>>, vector<16xf32>,
      %parallel_loop3A_334 = arith.index_cast %parallel_loop3A_330 : i32 to index
      %parallel_loop3A_335 = arith.constant 16 : index
      %parallel_loop3A_336 = tpu.vector_load %arg9[%parallel_loop3A_334, %parallel_loop3A_335] {strides = array<i32>} : memref<128x64xf32, #tpu.memory_space<vmem>>, vector<16xf32>,
      %parallel_loop3A_337 = arith.index_cast %parallel_loop3A_330 : i32 to index
      %parallel_loop3A_338 = arith.constant 32 : index
      %parallel_loop3A_339 = tpu.vector_load %arg9[%parallel_loop3A_337, %parallel_loop3A_338] {strides = array<i32>} : memref<128x64xf32, #tpu.memory_space<vmem>>, vector<16xf32>,
      %parallel_loop3A_340 = arith.index_cast %parallel_loop3A_330 : i32 to index
      %parallel_loop3A_341 = arith.constant 48 : index
      %parallel_loop3A_342 = tpu.vector_load %arg9[%parallel_loop3A_340, %parallel_loop3A_341] {strides = array<i32>} : memref<128x64xf32, #tpu.memory_space<vmem>>, vector<16xf32>,
      %parallel_loop3A_343 = arith.addf %parallel_loop3A_333, %parallel_loop3A_336 : vector<16xf32>
      %parallel_loop3A_344 = arith.addf %parallel_loop3A_343, %parallel_loop3A_339 : vector<16xf32>
      %parallel_loop3A_345 = arith.addf %parallel_loop3A_344, %parallel_loop3A_342 : vector<16xf32>
      %parallel_loop3A_346 = vector.broadcast %parallel_loop3A_330 : i32 to vector<16xi32>
      %parallel_loop3A_347 = tpu.vector_load_idx %arg11[%parallel_loop3A_346] : memref<128xi32, #tpu.memory_space<vmem>>[vector<16xi32>], vector<16xi32>,
      %parallel_loop3A_348 = arith.index_cast %parallel_loop3A_330 : i32 to index
      %parallel_loop3A_349 = arith.constant 0 : index
      %parallel_loop3A_350 = tpu.vector_load %arg7[%parallel_loop3A_348, %parallel_loop3A_349] {strides = array<i32>} : memref<128x256xf32, #tpu.memory_space<vmem>>, vector<16xf32>,
      %parallel_loop3A_351 = arith.mulf %parallel_loop3A_350, %parallel_loop3A_345 : vector<16xf32>
      tpu.vector_store_idx %arg14[%parallel_loop3A_347, %iota3A_132], %parallel_loop3A_351 {add = true} : memref<16x256xf32, #tpu.memory_space<vmem>>[vector<16xi32>, vector<16xi32>], vector<16xf32>,
    } {sc.loop_unroll_factor = 2 : i64, sc.parallel_access}
    %add3A_267 = arith.constant 768 : i32
    %add3A_268 = arith.addi %mul3A_131, %add3A_267 : i32
    %dma_start3A_269 = arith.constant 0 : i32
    %dma_start3A_270 = tpu.memref_slice %arg2[%add3A_268, %dma_start3A_269] : memref<32768x256xf32, #tpu.memory_space<hbm>> -> memref<128x256xf32, #tpu.memory_space<hbm>>
    %dma_start3A_271 = arith.constant 0 : i32
    %dma_start3A_272 = tpu.memref_slice %arg2[%add3A_268, %dma_start3A_271] : memref<32768x256xf32, #tpu.memory_space<hbm>> -> memref<128x256xf32, #tpu.memory_space<hbm>>
    tpu.enqueue_dma source(%dma_start3A_272 : memref<128x256xf32, #tpu.memory_space<hbm>>) target(%arg7 : memref<128x256xf32, #tpu.memory_space<vmem>>) target_semaphore(%arg15 : memref<!tpu.dma_semaphore, #tpu.memory_space<semaphore_mem>>)
    %dma_start3A_273 = arith.constant 0 : i32
    %dma_start3A_274 = tpu.memref_slice %arg3[%add3A_268, %dma_start3A_273] : memref<32768x64xf32, #tpu.memory_space<hbm>> -> memref<128x64xf32, #tpu.memory_space<hbm>>
    %dma_start3A_275 = arith.constant 0 : i32
    %dma_start3A_276 = tpu.memref_slice %arg3[%add3A_268, %dma_start3A_275] : memref<32768x64xf32, #tpu.memory_space<hbm>> -> memref<128x64xf32, #tpu.memory_space<hbm>>
    tpu.enqueue_dma source(%dma_start3A_276 : memref<128x64xf32, #tpu.memory_space<hbm>>) target(%arg9 : memref<128x64xf32, #tpu.memory_space<vmem>>) target_semaphore(%arg15 : memref<!tpu.dma_semaphore, #tpu.memory_space<semaphore_mem>>)
    %dma_start3A_277 = tpu.memref_slice %arg5[%add3A_268] : memref<32768xi32, #tpu.memory_space<hbm>> -> memref<128xi32, #tpu.memory_space<hbm>>
    %dma_start3A_278 = tpu.memref_slice %arg5[%add3A_268] : memref<32768xi32, #tpu.memory_space<hbm>> -> memref<128xi32, #tpu.memory_space<hbm>>
    tpu.enqueue_dma source(%dma_start3A_278 : memref<128xi32, #tpu.memory_space<hbm>>) target(%arg11 : memref<128xi32, #tpu.memory_space<vmem>>) target_semaphore(%arg15 : memref<!tpu.dma_semaphore, #tpu.memory_space<semaphore_mem>>)
    %dma_wait3A_279 = arith.constant 0 : i32
    %dma_wait3A_280 = tpu.memref_slice %arg2[%add3A_243, %dma_wait3A_279] : memref<32768x256xf32, #tpu.memory_space<hbm>> -> memref<128x256xf32, #tpu.memory_space<hbm>>
    %dma_wait3A_281 = arith.constant 0 : i32
    %dma_wait3A_282 = tpu.memref_slice %arg2[%add3A_243, %dma_wait3A_281] : memref<32768x256xf32, #tpu.memory_space<hbm>> -> memref<128x256xf32, #tpu.memory_space<hbm>>
    tpu.wait_dma2 semaphore(%arg16 : memref<!tpu.dma_semaphore, #tpu.memory_space<semaphore_mem>>) src(%dma_wait3A_282 : memref<128x256xf32, #tpu.memory_space<hbm>>) dst(%arg8 : memref<128x256xf32, #tpu.memory_space<vmem>>)
    %dma_wait3A_283 = arith.constant 0 : i32
    %dma_wait3A_284 = tpu.memref_slice %arg3[%add3A_243, %dma_wait3A_283] : memref<32768x64xf32, #tpu.memory_space<hbm>> -> memref<128x64xf32, #tpu.memory_space<hbm>>
    %dma_wait3A_285 = arith.constant 0 : i32
    %dma_wait3A_286 = tpu.memref_slice %arg3[%add3A_243, %dma_wait3A_285] : memref<32768x64xf32, #tpu.memory_space<hbm>> -> memref<128x64xf32, #tpu.memory_space<hbm>>
    tpu.wait_dma2 semaphore(%arg16 : memref<!tpu.dma_semaphore, #tpu.memory_space<semaphore_mem>>) src(%dma_wait3A_286 : memref<128x64xf32, #tpu.memory_space<hbm>>) dst(%arg10 : memref<128x64xf32, #tpu.memory_space<vmem>>)
    %dma_wait3A_287 = tpu.memref_slice %arg5[%add3A_243] : memref<32768xi32, #tpu.memory_space<hbm>> -> memref<128xi32, #tpu.memory_space<hbm>>
    %dma_wait3A_288 = tpu.memref_slice %arg5[%add3A_243] : memref<32768xi32, #tpu.memory_space<hbm>> -> memref<128xi32, #tpu.memory_space<hbm>>
    tpu.wait_dma2 semaphore(%arg16 : memref<!tpu.dma_semaphore, #tpu.memory_space<semaphore_mem>>) src(%dma_wait3A_288 : memref<128xi32, #tpu.memory_space<hbm>>) dst(%arg12 : memref<128xi32, #tpu.memory_space<vmem>>)
    %parallel_loop3A_289 = arith.constant 0 : i32
    %parallel_loop3A_290 = arith.constant 16 : i32
    %parallel_loop3A_291 = arith.constant 1 : i32
    scf.for %parallel_loop3A_330 = %parallel_loop3A_289 to %parallel_loop3A_290 step %parallel_loop3A_291  : i32 {
      %parallel_loop3A_331 = arith.index_cast %parallel_loop3A_330 : i32 to index
      %parallel_loop3A_332 = arith.constant 0 : index
      %parallel_loop3A_333 = tpu.vector_load %arg10[%parallel_loop3A_331, %parallel_loop3A_332] {strides = array<i32>} : memref<128x64xf32, #tpu.memory_space<vmem>>, vector<16xf32>,
      %parallel_loop3A_334 = arith.index_cast %parallel_loop3A_330 : i32 to index
      %parallel_loop3A_335 = arith.constant 16 : index
      %parallel_loop3A_336 = tpu.vector_load %arg10[%parallel_loop3A_334, %parallel_loop3A_335] {strides = array<i32>} : memref<128x64xf32, #tpu.memory_space<vmem>>, vector<16xf32>,
      %parallel_loop3A_337 = arith.index_cast %parallel_loop3A_330 : i32 to index
      %parallel_loop3A_338 = arith.constant 32 : index
      %parallel_loop3A_339 = tpu.vector_load %arg10[%parallel_loop3A_337, %parallel_loop3A_338] {strides = array<i32>} : memref<128x64xf32, #tpu.memory_space<vmem>>, vector<16xf32>,
      %parallel_loop3A_340 = arith.index_cast %parallel_loop3A_330 : i32 to index
      %parallel_loop3A_341 = arith.constant 48 : index
      %parallel_loop3A_342 = tpu.vector_load %arg10[%parallel_loop3A_340, %parallel_loop3A_341] {strides = array<i32>} : memref<128x64xf32, #tpu.memory_space<vmem>>, vector<16xf32>,
      %parallel_loop3A_343 = arith.addf %parallel_loop3A_333, %parallel_loop3A_336 : vector<16xf32>
      %parallel_loop3A_344 = arith.addf %parallel_loop3A_343, %parallel_loop3A_339 : vector<16xf32>
      %parallel_loop3A_345 = arith.addf %parallel_loop3A_344, %parallel_loop3A_342 : vector<16xf32>
      %parallel_loop3A_346 = vector.broadcast %parallel_loop3A_330 : i32 to vector<16xi32>
      %parallel_loop3A_347 = tpu.vector_load_idx %arg12[%parallel_loop3A_346] : memref<128xi32, #tpu.memory_space<vmem>>[vector<16xi32>], vector<16xi32>,
      %parallel_loop3A_348 = arith.index_cast %parallel_loop3A_330 : i32 to index
      %parallel_loop3A_349 = arith.constant 0 : index
      %parallel_loop3A_350 = tpu.vector_load %arg8[%parallel_loop3A_348, %parallel_loop3A_349] {strides = array<i32>} : memref<128x256xf32, #tpu.memory_space<vmem>>, vector<16xf32>,
      %parallel_loop3A_351 = arith.mulf %parallel_loop3A_350, %parallel_loop3A_345 : vector<16xf32>
      tpu.vector_store_idx %arg14[%parallel_loop3A_347, %iota3A_132], %parallel_loop3A_351 {add = true} : memref<16x256xf32, #tpu.memory_space<vmem>>[vector<16xi32>, vector<16xi32>], vector<16xf32>,
    } {sc.loop_unroll_factor = 2 : i64, sc.parallel_access}
    %add3A_292 = arith.constant 896 : i32
    %add3A_293 = arith.addi %mul3A_131, %add3A_292 : i32
    %dma_start3A_294 = arith.constant 0 : i32
    %dma_start3A_295 = tpu.memref_slice %arg2[%add3A_293, %dma_start3A_294] : memref<32768x256xf32, #tpu.memory_space<hbm>> -> memref<128x256xf32, #tpu.memory_space<hbm>>
    %dma_start3A_296 = arith.constant 0 : i32
    %dma_start3A_297 = tpu.memref_slice %arg2[%add3A_293, %dma_start3A_296] : memref<32768x256xf32, #tpu.memory_space<hbm>> -> memref<128x256xf32, #tpu.memory_space<hbm>>
    tpu.enqueue_dma source(%dma_start3A_297 : memref<128x256xf32, #tpu.memory_space<hbm>>) target(%arg8 : memref<128x256xf32, #tpu.memory_space<vmem>>) target_semaphore(%arg16 : memref<!tpu.dma_semaphore, #tpu.memory_space<semaphore_mem>>)
    %dma_start3A_298 = arith.constant 0 : i32
    %dma_start3A_299 = tpu.memref_slice %arg3[%add3A_293, %dma_start3A_298] : memref<32768x64xf32, #tpu.memory_space<hbm>> -> memref<128x64xf32, #tpu.memory_space<hbm>>
    %dma_start3A_300 = arith.constant 0 : i32
    %dma_start3A_301 = tpu.memref_slice %arg3[%add3A_293, %dma_start3A_300] : memref<32768x64xf32, #tpu.memory_space<hbm>> -> memref<128x64xf32, #tpu.memory_space<hbm>>
    tpu.enqueue_dma source(%dma_start3A_301 : memref<128x64xf32, #tpu.memory_space<hbm>>) target(%arg10 : memref<128x64xf32, #tpu.memory_space<vmem>>) target_semaphore(%arg16 : memref<!tpu.dma_semaphore, #tpu.memory_space<semaphore_mem>>)
    %dma_start3A_302 = tpu.memref_slice %arg5[%add3A_293] : memref<32768xi32, #tpu.memory_space<hbm>> -> memref<128xi32, #tpu.memory_space<hbm>>
    %dma_start3A_303 = tpu.memref_slice %arg5[%add3A_293] : memref<32768xi32, #tpu.memory_space<hbm>> -> memref<128xi32, #tpu.memory_space<hbm>>
    tpu.enqueue_dma source(%dma_start3A_303 : memref<128xi32, #tpu.memory_space<hbm>>) target(%arg12 : memref<128xi32, #tpu.memory_space<vmem>>) target_semaphore(%arg16 : memref<!tpu.dma_semaphore, #tpu.memory_space<semaphore_mem>>)
    %dma_wait3A_304 = arith.constant 0 : i32
    %dma_wait3A_305 = tpu.memref_slice %arg2[%add3A_268, %dma_wait3A_304] : memref<32768x256xf32, #tpu.memory_space<hbm>> -> memref<128x256xf32, #tpu.memory_space<hbm>>
    %dma_wait3A_306 = arith.constant 0 : i32
    %dma_wait3A_307 = tpu.memref_slice %arg2[%add3A_268, %dma_wait3A_306] : memref<32768x256xf32, #tpu.memory_space<hbm>> -> memref<128x256xf32, #tpu.memory_space<hbm>>
    tpu.wait_dma2 semaphore(%arg15 : memref<!tpu.dma_semaphore, #tpu.memory_space<semaphore_mem>>) src(%dma_wait3A_307 : memref<128x256xf32, #tpu.memory_space<hbm>>) dst(%arg7 : memref<128x256xf32, #tpu.memory_space<vmem>>)
    %dma_wait3A_308 = arith.constant 0 : i32
    %dma_wait3A_309 = tpu.memref_slice %arg3[%add3A_268, %dma_wait3A_308] : memref<32768x64xf32, #tpu.memory_space<hbm>> -> memref<128x64xf32, #tpu.memory_space<hbm>>
    %dma_wait3A_310 = arith.constant 0 : i32
    %dma_wait3A_311 = tpu.memref_slice %arg3[%add3A_268, %dma_wait3A_310] : memref<32768x64xf32, #tpu.memory_space<hbm>> -> memref<128x64xf32, #tpu.memory_space<hbm>>
    tpu.wait_dma2 semaphore(%arg15 : memref<!tpu.dma_semaphore, #tpu.memory_space<semaphore_mem>>) src(%dma_wait3A_311 : memref<128x64xf32, #tpu.memory_space<hbm>>) dst(%arg9 : memref<128x64xf32, #tpu.memory_space<vmem>>)
    %dma_wait3A_312 = tpu.memref_slice %arg5[%add3A_268] : memref<32768xi32, #tpu.memory_space<hbm>> -> memref<128xi32, #tpu.memory_space<hbm>>
    %dma_wait3A_313 = tpu.memref_slice %arg5[%add3A_268] : memref<32768xi32, #tpu.memory_space<hbm>> -> memref<128xi32, #tpu.memory_space<hbm>>
    tpu.wait_dma2 semaphore(%arg15 : memref<!tpu.dma_semaphore, #tpu.memory_space<semaphore_mem>>) src(%dma_wait3A_313 : memref<128xi32, #tpu.memory_space<hbm>>) dst(%arg11 : memref<128xi32, #tpu.memory_space<vmem>>)
    %parallel_loop3A_314 = arith.constant 0 : i32
    %parallel_loop3A_315 = arith.constant 16 : i32
    %parallel_loop3A_316 = arith.constant 1 : i32
    scf.for %parallel_loop3A_330 = %parallel_loop3A_314 to %parallel_loop3A_315 step %parallel_loop3A_316  : i32 {
      %parallel_loop3A_331 = arith.index_cast %parallel_loop3A_330 : i32 to index
      %parallel_loop3A_332 = arith.constant 0 : index
      %parallel_loop3A_333 = tpu.vector_load %arg9[%parallel_loop3A_331, %parallel_loop3A_332] {strides = array<i32>} : memref<128x64xf32, #tpu.memory_space<vmem>>, vector<16xf32>,
      %parallel_loop3A_334 = arith.index_cast %parallel_loop3A_330 : i32 to index
      %parallel_loop3A_335 = arith.constant 16 : index
      %parallel_loop3A_336 = tpu.vector_load %arg9[%parallel_loop3A_334, %parallel_loop3A_335] {strides = array<i32>} : memref<128x64xf32, #tpu.memory_space<vmem>>, vector<16xf32>,
      %parallel_loop3A_337 = arith.index_cast %parallel_loop3A_330 : i32 to index
      %parallel_loop3A_338 = arith.constant 32 : index
      %parallel_loop3A_339 = tpu.vector_load %arg9[%parallel_loop3A_337, %parallel_loop3A_338] {strides = array<i32>} : memref<128x64xf32, #tpu.memory_space<vmem>>, vector<16xf32>,
      %parallel_loop3A_340 = arith.index_cast %parallel_loop3A_330 : i32 to index
      %parallel_loop3A_341 = arith.constant 48 : index
      %parallel_loop3A_342 = tpu.vector_load %arg9[%parallel_loop3A_340, %parallel_loop3A_341] {strides = array<i32>} : memref<128x64xf32, #tpu.memory_space<vmem>>, vector<16xf32>,
      %parallel_loop3A_343 = arith.addf %parallel_loop3A_333, %parallel_loop3A_336 : vector<16xf32>
      %parallel_loop3A_344 = arith.addf %parallel_loop3A_343, %parallel_loop3A_339 : vector<16xf32>
      %parallel_loop3A_345 = arith.addf %parallel_loop3A_344, %parallel_loop3A_342 : vector<16xf32>
      %parallel_loop3A_346 = vector.broadcast %parallel_loop3A_330 : i32 to vector<16xi32>
      %parallel_loop3A_347 = tpu.vector_load_idx %arg11[%parallel_loop3A_346] : memref<128xi32, #tpu.memory_space<vmem>>[vector<16xi32>], vector<16xi32>,
      %parallel_loop3A_348 = arith.index_cast %parallel_loop3A_330 : i32 to index
      %parallel_loop3A_349 = arith.constant 0 : index
      %parallel_loop3A_350 = tpu.vector_load %arg7[%parallel_loop3A_348, %parallel_loop3A_349] {strides = array<i32>} : memref<128x256xf32, #tpu.memory_space<vmem>>, vector<16xf32>,
      %parallel_loop3A_351 = arith.mulf %parallel_loop3A_350, %parallel_loop3A_345 : vector<16xf32>
      tpu.vector_store_idx %arg14[%parallel_loop3A_347, %iota3A_132], %parallel_loop3A_351 {add = true} : memref<16x256xf32, #tpu.memory_space<vmem>>[vector<16xi32>, vector<16xi32>], vector<16xf32>,
    } {sc.loop_unroll_factor = 2 : i64, sc.parallel_access}
    %dma_wait3A_317 = arith.constant 0 : i32
    %dma_wait3A_318 = tpu.memref_slice %arg2[%add3A_293, %dma_wait3A_317] : memref<32768x256xf32, #tpu.memory_space<hbm>> -> memref<128x256xf32, #tpu.memory_space<hbm>>
    %dma_wait3A_319 = arith.constant 0 : i32
    %dma_wait3A_320 = tpu.memref_slice %arg2[%add3A_293, %dma_wait3A_319] : memref<32768x256xf32, #tpu.memory_space<hbm>> -> memref<128x256xf32, #tpu.memory_space<hbm>>
    tpu.wait_dma2 semaphore(%arg16 : memref<!tpu.dma_semaphore, #tpu.memory_space<semaphore_mem>>) src(%dma_wait3A_320 : memref<128x256xf32, #tpu.memory_space<hbm>>) dst(%arg8 : memref<128x256xf32, #tpu.memory_space<vmem>>)
    %dma_wait3A_321 = arith.constant 0 : i32
    %dma_wait3A_322 = tpu.memref_slice %arg3[%add3A_293, %dma_wait3A_321] : memref<32768x64xf32, #tpu.memory_space<hbm>> -> memref<128x64xf32, #tpu.memory_space<hbm>>
    %dma_wait3A_323 = arith.constant 0 : i32
    %dma_wait3A_324 = tpu.memref_slice %arg3[%add3A_293, %dma_wait3A_323] : memref<32768x64xf32, #tpu.memory_space<hbm>> -> memref<128x64xf32, #tpu.memory_space<hbm>>
    tpu.wait_dma2 semaphore(%arg16 : memref<!tpu.dma_semaphore, #tpu.memory_space<semaphore_mem>>) src(%dma_wait3A_324 : memref<128x64xf32, #tpu.memory_space<hbm>>) dst(%arg10 : memref<128x64xf32, #tpu.memory_space<vmem>>)
    %dma_wait3A_325 = tpu.memref_slice %arg5[%add3A_293] : memref<32768xi32, #tpu.memory_space<hbm>> -> memref<128xi32, #tpu.memory_space<hbm>>
    %dma_wait3A_326 = tpu.memref_slice %arg5[%add3A_293] : memref<32768xi32, #tpu.memory_space<hbm>> -> memref<128xi32, #tpu.memory_space<hbm>>
    tpu.wait_dma2 semaphore(%arg16 : memref<!tpu.dma_semaphore, #tpu.memory_space<semaphore_mem>>) src(%dma_wait3A_326 : memref<128xi32, #tpu.memory_space<hbm>>) dst(%arg12 : memref<128xi32, #tpu.memory_space<vmem>>)
    %parallel_loop3A_327 = arith.constant 0 : i32
    %parallel_loop3A_328 = arith.constant 16 : i32
    %parallel_loop3A_329 = arith.constant 1 : i32
    scf.for %parallel_loop3A_330 = %parallel_loop3A_327 to %parallel_loop3A_328 step %parallel_loop3A_329  : i32 {
      %parallel_loop3A_331 = arith.index_cast %parallel_loop3A_330 : i32 to index
      %parallel_loop3A_332 = arith.constant 0 : index
      %parallel_loop3A_333 = tpu.vector_load %arg10[%parallel_loop3A_331, %parallel_loop3A_332] {strides = array<i32>} : memref<128x64xf32, #tpu.memory_space<vmem>>, vector<16xf32>,
      %parallel_loop3A_334 = arith.index_cast %parallel_loop3A_330 : i32 to index
      %parallel_loop3A_335 = arith.constant 16 : index
      %parallel_loop3A_336 = tpu.vector_load %arg10[%parallel_loop3A_334, %parallel_loop3A_335] {strides = array<i32>} : memref<128x64xf32, #tpu.memory_space<vmem>>, vector<16xf32>,
      %parallel_loop3A_337 = arith.index_cast %parallel_loop3A_330 : i32 to index
      %parallel_loop3A_338 = arith.constant 32 : index
      %parallel_loop3A_339 = tpu.vector_load %arg10[%parallel_loop3A_337, %parallel_loop3A_338] {strides = array<i32>} : memref<128x64xf32, #tpu.memory_space<vmem>>, vector<16xf32>,
      %parallel_loop3A_340 = arith.index_cast %parallel_loop3A_330 : i32 to index
      %parallel_loop3A_341 = arith.constant 48 : index
      %parallel_loop3A_342 = tpu.vector_load %arg10[%parallel_loop3A_340, %parallel_loop3A_341] {strides = array<i32>} : memref<128x64xf32, #tpu.memory_space<vmem>>, vector<16xf32>,
      %parallel_loop3A_343 = arith.addf %parallel_loop3A_333, %parallel_loop3A_336 : vector<16xf32>
      %parallel_loop3A_344 = arith.addf %parallel_loop3A_343, %parallel_loop3A_339 : vector<16xf32>
      %parallel_loop3A_345 = arith.addf %parallel_loop3A_344, %parallel_loop3A_342 : vector<16xf32>
      %parallel_loop3A_346 = vector.broadcast %parallel_loop3A_330 : i32 to vector<16xi32>
      %parallel_loop3A_347 = tpu.vector_load_idx %arg12[%parallel_loop3A_346] : memref<128xi32, #tpu.memory_space<vmem>>[vector<16xi32>], vector<16xi32>,
      %parallel_loop3A_348 = arith.index_cast %parallel_loop3A_330 : i32 to index
      %parallel_loop3A_349 = arith.constant 0 : index
      %parallel_loop3A_350 = tpu.vector_load %arg8[%parallel_loop3A_348, %parallel_loop3A_349] {strides = array<i32>} : memref<128x256xf32, #tpu.memory_space<vmem>>, vector<16xf32>,
      %parallel_loop3A_351 = arith.mulf %parallel_loop3A_350, %parallel_loop3A_345 : vector<16xf32>
      tpu.vector_store_idx %arg14[%parallel_loop3A_347, %iota3A_132], %parallel_loop3A_351 {add = true} : memref<16x256xf32, #tpu.memory_space<vmem>>[vector<16xi32>, vector<16xi32>], vector<16xf32>,
    } {sc.loop_unroll_factor = 2 : i64, sc.parallel_access}
    "tpu.region"() ({
      %run_scoped3A = tpu.sem_alloc : memref<!tpu.dma_semaphore, #tpu.memory_space<semaphore_mem>>
      %dma_start3A_330 = arith.constant 0 : i32
      %dma_start3A_331 = arith.constant 0 : i32
      %dma_start3A_332 = tpu.memref_slice %arg6[%add3A, %dma_start3A_330, %dma_start3A_331] : memref<32x16x256xf32, #tpu.memory_space<hbm>> -> memref<1x16x256xf32, #tpu.memory_space<hbm>>
      %dma_start3A_333 = tpu.memref_squeeze %dma_start3A_332 : memref<1x16x256xf32, #tpu.memory_space<hbm>> -> memref<16x256xf32, #tpu.memory_space<hbm>>
      %dma_start3A_334 = arith.constant 0 : i32
      %dma_start3A_335 = arith.constant 0 : i32
      %dma_start3A_336 = tpu.memref_slice %arg6[%add3A, %dma_start3A_334, %dma_start3A_335] : memref<32x16x256xf32, #tpu.memory_space<hbm>> -> memref<1x16x256xf32, #tpu.memory_space<hbm>>
      %dma_start3A_337 = tpu.memref_squeeze %dma_start3A_336 : memref<1x16x256xf32, #tpu.memory_space<hbm>> -> memref<16x256xf32, #tpu.memory_space<hbm>>
      tpu.enqueue_dma source(%arg14 : memref<16x256xf32, #tpu.memory_space<vmem>>) target(%dma_start3A_337 : memref<16x256xf32, #tpu.memory_space<hbm>>) target_semaphore(%run_scoped3A : memref<!tpu.dma_semaphore, #tpu.memory_space<semaphore_mem>>)
      %dma_wait3A_338 = arith.constant 0 : i32
      %dma_wait3A_339 = arith.constant 0 : i32
      %dma_wait3A_340 = tpu.memref_slice %arg6[%add3A, %dma_wait3A_338, %dma_wait3A_339] : memref<32x16x256xf32, #tpu.memory_space<hbm>> -> memref<1x16x256xf32, #tpu.memory_space<hbm>>
      %dma_wait3A_341 = tpu.memref_squeeze %dma_wait3A_340 : memref<1x16x256xf32, #tpu.memory_space<hbm>> -> memref<16x256xf32, #tpu.memory_space<hbm>>
      %dma_wait3A_342 = arith.constant 0 : i32
      %dma_wait3A_343 = arith.constant 0 : i32
      %dma_wait3A_344 = tpu.memref_slice %arg6[%add3A, %dma_wait3A_342, %dma_wait3A_343] : memref<32x16x256xf32, #tpu.memory_space<hbm>> -> memref<1x16x256xf32, #tpu.memory_space<hbm>>
      %dma_wait3A_345 = tpu.memref_squeeze %dma_wait3A_344 : memref<1x16x256xf32, #tpu.memory_space<hbm>> -> memref<16x256xf32, #tpu.memory_space<hbm>>
      tpu.wait_dma2 semaphore(%run_scoped3A : memref<!tpu.dma_semaphore, #tpu.memory_space<semaphore_mem>>) src(%arg14 : memref<16x256xf32, #tpu.memory_space<vmem>>) dst(%dma_wait3A_345 : memref<16x256xf32, #tpu.memory_space<hbm>>)
      tpu.yield
    }) : () -> ()
    return
  }
}

module attributes {stable_mosaic.version = 14 : i64} {
  func.func @_tail_body(%arg0: memref<32x16x256xf32, #tpu.memory_space<vmem>>, %arg1: memref<256x80xf32, #tpu.memory_space<vmem>>, %arg2: memref<16x80xf32, #tpu.memory_space<vmem>>) attributes {dimension_semantics = [], scalar_prefetch = 0 : i64, scratch_operands = 0 : i64, tpu.core_type = #tpu.core_type<tc>} {
    %get3A = arith.constant 0 : index
    %get3A_0 = arith.constant 0 : index
    %get3A_1 = arith.constant 0 : index
    %get3A_2 = vector.load %arg0[%get3A, %get3A_0, %get3A_1] : memref<32x16x256xf32, #tpu.memory_space<vmem>>, vector<32x16x256xf32>
    %reduce_sum3A = arith.constant dense<0.000000e+00> : vector<16x256xf32>
    %reduce_sum3A_3 = vector.multi_reduction <add>, %get3A_2, %reduce_sum3A [0] : vector<32x16x256xf32> to vector<16x256xf32>
    %get3A_4 = arith.constant 0 : index
    %get3A_5 = arith.constant 0 : index
    %get3A_6 = vector.load %arg1[%get3A_4, %get3A_5] : memref<256x80xf32, #tpu.memory_space<vmem>>, vector<256x80xf32>
    %dot_general3A = arith.constant dense<0.000000e+00> : vector<16x80xf32>
    %dot_general3A_7 = tpu.matmul %reduce_sum3A_3, %get3A_6, %dot_general3A {dimension_numbers = #tpu.dot_dimension_numbers<[1], [0], [0], [1], [0, 0, 1, 1], [], []>, transpose_lhs_hint = false} : vector<16x256xf32>, vector<256x80xf32>, vector<16x80xf32> -> vector<16x80xf32>
    %mul3A = arith.mulf %get3A_6, %get3A_6 : vector<256x80xf32>
    %reduce_sum3A_8 = arith.constant dense<0.000000e+00> : vector<80xf32>
    %reduce_sum3A_9 = vector.multi_reduction <add>, %mul3A, %reduce_sum3A_8 [0] : vector<256x80xf32> to vector<80xf32>
    %broadcast_in_dim3A = vector.shape_cast %reduce_sum3A_9 : vector<80xf32> to vector<1x80xf32>
    %div3A = arith.constant 2.560000e+02 : f32
    %div3A_10 = vector.broadcast %div3A : f32 to vector<1x80xf32>
    %div3A_11 = arith.divf %broadcast_in_dim3A, %div3A_10 : vector<1x80xf32>
    %sqrt3A = math.sqrt %div3A_11 : vector<1x80xf32>
    %reduce_sum3A_12 = arith.constant dense<0.000000e+00> : vector<80xf32>
    %reduce_sum3A_13 = vector.multi_reduction <add>, %dot_general3A_7, %reduce_sum3A_12 [0] : vector<16x80xf32> to vector<80xf32>
    %broadcast_in_dim3A_14 = vector.shape_cast %reduce_sum3A_13 : vector<80xf32> to vector<1x80xf32>
    %div3A_15 = arith.constant 1.600000e+01 : f32
    %div3A_16 = vector.broadcast %div3A_15 : f32 to vector<1x80xf32>
    %div3A_17 = arith.divf %broadcast_in_dim3A_14, %div3A_16 : vector<1x80xf32>
    %sub3A = vector.broadcast %div3A_17 : vector<1x80xf32> to vector<16x80xf32>
    %sub3A_18 = arith.subf %dot_general3A_7, %sub3A : vector<16x80xf32>
    %mul3A_19 = arith.mulf %sub3A_18, %sub3A_18 : vector<16x80xf32>
    %reduce_sum3A_20 = arith.constant dense<0.000000e+00> : vector<80xf32>
    %reduce_sum3A_21 = vector.multi_reduction <add>, %mul3A_19, %reduce_sum3A_20 [0] : vector<16x80xf32> to vector<80xf32>
    %broadcast_in_dim3A_22 = vector.shape_cast %reduce_sum3A_21 : vector<80xf32> to vector<1x80xf32>
    %mul3A_23 = arith.constant 0.0666666701 : f32
    %mul3A_24 = vector.broadcast %mul3A_23 : f32 to vector<1x80xf32>
    %mul3A_25 = arith.mulf %broadcast_in_dim3A_22, %mul3A_24 : vector<1x80xf32>
    %mul3A_26 = vector.broadcast %sqrt3A : vector<1x80xf32> to vector<16x80xf32>
    %mul3A_27 = arith.mulf %mul3A_26, %sub3A_18 : vector<16x80xf32>
    %rsqrt3A = math.rsqrt %mul3A_25 : vector<1x80xf32>
    %mul3A_28 = vector.broadcast %rsqrt3A : vector<1x80xf32> to vector<16x80xf32>
    %mul3A_29 = arith.mulf %mul3A_27, %mul3A_28 : vector<16x80xf32>
    %swap3A = arith.constant 0 : index
    %swap3A_30 = arith.constant 0 : index
    %swap3A_31 = vector.load %arg2[%swap3A, %swap3A_30] : memref<16x80xf32, #tpu.memory_space<vmem>>, vector<16x80xf32>
    tpu.vector_store %arg2[%swap3A, %swap3A_30], %mul3A_29 {strides = array<i32>} : memref<16x80xf32, #tpu.memory_space<vmem>>, vector<16x80xf32>,
    return
  }
}

</mosaic_0001>

<sc_bundles>
// kernel: kernel.4.cloned.1.call-start
scs
__scs_entry_jumppad:
0x0: {  	(pc) =	sbr.rel $0x88, $3  }
0x1: {  	(tag) =	ssettag $0x0;
	lr =	simm.s32 $0x1  }
0x2: {  	[smem:$0x3F9C] =	sst lr;
	_ =	strace $0xD0000000  }
0x3: {  	_ = 	snop  }
0x4: {  	_ = 	snop  }
0x5: {  	_ = 	snop  }
0x6: {  	_ = 	snop  }
0x7: {  	_ = 	snop  }
__scs_overlays_trampoline_lowered:
0x8: {  	[smem:$0x3FAB] =	sst s0  }
0x9: {  	[smem:$0x3FAC] =	sst s1  }
0xa: {  	[smem:$0x3FAD] =	sst s2  }
0xb: {  	[smem:$0x3FAE] =	sst s3  }
0xc: {  	[smem:$0x3FAF] =	sst s4  }
0xd: {  	[smem:$0x3FB0] =	sst s5  }
0xe: {  	[smem:$0x3FB1] =	sst s6  }
0xf: {  	[smem:$0x3FB2] =	sst s7  }
0x10: {  	[smem:$0x3FB3] =	sst s8  }
0x11: {  	[smem:$0x3FB4] =	sst s9;
	s0 =	simm.s32 @!p0 $0x0  }
0x12: {  	s1 =	sld [smem:$0x3F9A];
	s0 =	simm.s32 @p0 $0x1  }
0x13: {  	[smem:$0x3FB5] =	sst s0;
	s0 =	simm.s32 @!p1 $0x0  }
0x14: {  	s2 =	sld [smem:$0x3F99];
	s0 =	simm.s32 @p1 $0x1  }
0x15: {  	[smem:$0x3FB6] =	sst s0;
	s0 =	simm.s32 @!p2 $0x0  }
0x16: {  	s3 =	sld [smem:$0x3FDB];
	s0 =	simm.s32 @p2 $0x1  }
0x17: {  	s4 =	simm.s32 $0x1BF5;
	[smem:$0x3FB8] =	sst s0  }
0x18: {  	s0 =	sld [smem:$0x3F9B];
	_ =	swait.ge [sflag:s4], $0x0  }
0x19: {  	s7 =	sld [smem:$0x3F9C]  }
0x1a: {  	s8 =	sadd.s32 $0xFFFFE003, lr  }
0x1b: {  	s9 =	sadd.s32 $0xFFFFFEF7, lr;
	s5 =	simm.s32 $0xFFFFFFFF;
	p2 =	slt.u32 s8, $0xFFFFF086  }
0x1c: {  	p1 =	slt.u32 s9, $0xF7A;
	s5 =	simm.s32 @!p2 $0x0  }
0x1d: {  	s5 =	simm.s32 @p1 $0x1;
	p0 =	seq.s32 s7, s2  }
0x1e: {  	s7 =	smul.u32 @!p0 $0xF7A, s2;
	p2 =	seq.s32 @!p0 s5, $0x0  }
0x1f: {  	s9 =	smul.u32 $0xF7A, s1;
	s8 =	simm.s32 @!p0 $0x1BF5;
	p2 =	por !p2, p0  }
0x20: {  	[sflag:s8] =	ssyncset.s32 @!p0 $0xFFFFF086;
	s6 =	sadd.s32 @!p0 s3, s7;
	s7 =	simm.s32 @!p0 $0x108  }
0x21: {  	s3 =	sadd.s32 s3, s9;
	s6 =	sadd.s32 @!p0 $0x88, s6;
	s7 =	simm.s32 @p2 $0x1082  }
0x22: {  	[simem:s7], [sflag:s8] =	dma.local @!p0 [hbm:s6], $0xF7A  }
0x23: {  	s9 =	sor.u32 $0xD0000000, s2;
	s6 =	simm.s32 $0x108;
	_ =	swait.ge @!p0 [sflag:s8], $0x0  }
0x24: {  	s3 =	sadd.s32 $0x88, s3;
	s6 =	simm.s32 @!p1 $0x1082;
	[sflag:s4] =	ssyncset.s32 $0xFFFFF086  }
0x25: {  	[simem:s6], [sflag:s4] =	dma.local [hbm:s3], $0xF7A  }
0x26: {  	[smem:$0x3F9C] =	sst s1;
	(tag) =	ssettag s2;
	_ =	strace s9  }
0x27: {  	s1 =	sld [smem:$0x3FAC]  }
0x28: {  	s2 =	sld [smem:$0x3FAD]  }
0x29: {  	s4 =	sld [smem:$0x3FAF]  }
0x2a: {  	p0 =	seq.s32 s5, $0x0;
	s5 =	sld [smem:$0x3FB0]  }
0x2b: {  	s6 =	sld [smem:$0x3FB1]  }
0x2c: {  	s7 =	sld [smem:$0x3FB2]  }
0x2d: {  	s3 =	simm.s32 $0x108;
	s8 =	sld [smem:$0x3FB3]  }
0x2e: {  	s3 =	simm.s32 @!p0 $0x1082;
	s9 =	sld [smem:$0x3FB4]  }
0x2f: {  	lr =	sadd.s32 s0, s3;
	s0 =	sld [smem:$0x3FAB]  }
0x30: {  	s3 =	sld [smem:$0x3FAE]  }
0x31: {  	[smem:$0x3FB7] =	sst s10  }
0x32: {  	s10 =	sld [smem:$0x3FB5];
	_ =	sdelay $0x3  }
0x33: {  	p0 =	seq.s32 s10, $0x1;
	s10 =	sld [smem:$0x3FB7];
	_ =	sdelay $0x3  }
0x34: {  	[smem:$0x3FB7] =	sst s10  }
0x35: {  	s10 =	sld [smem:$0x3FB6];
	_ =	sdelay $0x3  }
0x36: {  	p1 =	seq.s32 s10, $0x1;
	s10 =	sld [smem:$0x3FB7];
	_ =	sdelay $0x3  }
0x37: {  	[smem:$0x3FB7] =	sst s10  }
0x38: {  	s10 =	sld [smem:$0x3FB8]  }
0x39: {  	_ = 	snop;
	(pc) =	sbr.ind lr, $3  }
0x3a: {  	_ = 	snop  }
0x3b: {  	_ = 	snop  }
0x3c: {  	p2 =	seq.s32 s10, $0x1;
	s10 =	sld [smem:$0x3FB7]  }
0x3d: {  	_ =	shalt  }
0x3e: {  	_ =	shalt  }
0x3f: {  	_ =	shalt  }
0x40: {  	_ =	shalt  }
0x41: {  	_ =	shalt  }
0x42: {  	_ =	shalt  }
0x43: {  	_ =	shalt  }
0x44: {  	_ =	shalt  }
0x45: {  	_ =	shalt  }
0x46: {  	_ =	shalt  }
0x47: {  	_ =	shalt  }
0x48: {  	_ =	shalt  }
0x49: {  	_ =	shalt  }
0x4a: {  	_ =	shalt  }
0x4b: {  	_ =	shalt  }
0x4c: {  	_ =	shalt  }
0x4d: {  	_ =	shalt  }
0x4e: {  	_ =	shalt  }
0x4f: {  	_ =	shalt  }
0x50: {  	_ =	shalt  }
0x51: {  	_ =	shalt  }
0x52: {  	_ =	shalt  }
0x53: {  	_ =	shalt  }
0x54: {  	_ =	shalt  }
0x55: {  	_ =	shalt  }
0x56: {  	_ =	shalt  }
0x57: {  	_ =	shalt  }
0x58: {  	_ =	shalt  }
0x59: {  	_ =	shalt  }
0x5a: {  	_ =	shalt  }
0x5b: {  	_ =	shalt  }
0x5c: {  	_ =	shalt  }
0x5d: {  	_ =	shalt  }
0x5e: {  	_ =	shalt  }
0x5f: {  	_ =	shalt  }
0x60: {  	_ =	shalt  }
0x61: {  	_ =	shalt  }
0x62: {  	_ =	shalt  }
0x63: {  	_ =	shalt  }
0x64: {  	_ =	shalt  }
0x65: {  	_ =	shalt  }
0x66: {  	_ =	shalt  }
0x67: {  	_ =	shalt  }
0x68: {  	_ =	shalt  }
0x69: {  	_ =	shalt  }
0x6a: {  	_ =	shalt  }
0x6b: {  	_ =	shalt  }
0x6c: {  	_ =	shalt  }
0x6d: {  	_ =	shalt  }
0x6e: {  	_ =	shalt  }
0x6f: {  	_ =	shalt  }
0x70: {  	_ =	shalt  }
0x71: {  	_ =	shalt  }
0x72: {  	_ =	shalt  }
0x73: {  	_ =	shalt  }
0x74: {  	_ =	shalt  }
0x75: {  	_ =	shalt  }
0x76: {  	_ =	shalt  }
0x77: {  	_ =	shalt  }
0x78: {  	_ =	shalt  }
0x79: {  	_ =	shalt  }
0x7a: {  	_ =	shalt  }
0x7b: {  	_ =	shalt  }
0x7c: {  	_ =	shalt  }
0x7d: {  	_ =	shalt  }
0x7e: {  	_ =	shalt  }
0x7f: {  	_ =	shalt  }
0x80: {  	_ =	shalt  }
0x81: {  	_ =	shalt  }
0x82: {  	_ =	shalt  }
0x83: {  	_ =	shalt  }
0x84: {  	_ =	shalt  }
0x85: {  	_ =	shalt  }
0x86: {  	_ =	shalt  }
0x87: {  	_ =	shalt  }
.Lfunc_end0:
.L_simem_size_0:
called_computation_lowered:
.L_overlay_start_0:
0x88: {  	s2 =	sld [smem:$0x3FD9]  }
0x89: {  	s3 =	sld [smem:$0x3FFE];
	_ =	sdelay $0x1  }
0x8a: {  	s1 =	srdreg.scid  }
0x8b: {  	s0 =	sand.u32 $0x1, s1  }
0x8c: {  	s17 =	sshll.u32 s0, $0xA;
	s2 =	sadd.s32 s3, s2  }
0x8d: {  	s2 =	sadd.s32 s2, s17  }
0x8e: {  	[smem:$0x3FC3] =	sst s2  }
0x8f: {  	_ = 	snop  }
0x90: {  	s2 =	sld [smem:$0x3FC9]  }
0x91: {  	s18 =	sld [smem:$0x3FC7]  }
0x92: {  	s4 =	sld [smem:$0x3FC5];
	(tm) =	ssettm $0x1  }
0x93: {  	s5 =	sld [smem:$0x3FFB];
	_ =	sdelay $0x3  }
0x94: {  	_ =	strace s5  }
0x95: {  	s5 =	sld [smem:$0x3FFC];
	_ =	sdelay $0x3  }
0x96: {  	_ =	strace s5  }
0x97: {  	s5 =	sld [smem:$0x3FFD];
	_ =	sdelay $0x3  }
0x98: {  	_ =	strace s5  }
0x99: {  	_ =	strace $0x8FFFFFFF  }
0x9a: {  	s19 =	sld [smem:$0x3FDB];
	_ =	sdelay $0x1  }
0x9b: {  	s6 =	simm.s32 $_scs_section_size  }
0x9c: {  	s7 =	simm.s32 $_size__tile_overlayer_lowered;
	s8 =	simm.s32 $_tile_overlayer_lowered  }
0x9d: {  	s22 =	simm.s32 $0x1BFF;
	s21 =	sshll.u32 s8, $0x1;
	s5 =	sadd.s32 s6, s19  }
0x9e: {  	s9 =	simm.s32 $0x0;
	s20 =	sshll.u32 s7, $0x1;
	s7 =	sadd.s32 s21, s5  }
0x9f: {  	[timem:s9], [sflag:s22] =	dma.local [hbm:s7], s20  }
0xa0: {  	_ =	swait.ge [sflag:s22], s20  }
0xa1: {  	s6 =	ssub.s32 $0x0, s20;
	[sflag:s22] =	ssyncset.done $0x0  }
0xa2: {  	[sflag:s22] =	ssyncadd.s32 s6;
	_ =	sdelay $0x1  }
0xa3: {  	s23 =	simm.s32 $0x1B8B  }
0xa4: {  	_ =	swait.ge [sflag:s23], $0x1  }
0xa5: {  	[sflag:s23] =	ssyncset.done $0x0  }
0xa6: {  	s25 =	simm.s32 $0x1B8E;
	s24 =	sld [smem:$0x3FFE];
	[sflag:s23] =	ssyncadd.s32 $0xFFFFFFFF  }
0xa7: {  	s26 =	simm.s32 $execute0_lowered;
	[smem:$0x3FD2] =	sst s25  }
0xa8: {  	s7 =	sshll.u32 s26, $0x1;
	_ =	strace $0x80000046;
	[dreg:$0x1] =	wrdreg $0xFFFFFFFF  }
0xa9: {  	s28 =	simm.s32 $_size_execute0_lowered;
	s5 =	sadd.s32 s5, s7;
	[dreg:$0x0] =	wrdreg $0x0  }
0xaa: {  	s7 =	sshll.u32 s28, $0x1;
	[dreg:$0x2] =	wrdreg s5  }
0xab: {  	[dreg:$0x3] =	wrdreg s7  }
0xac: {  	[dreg:$0x4] =	wrdreg $0xC0  }
0xad: {  	_ =	task [dreg:s9], $0x5FFFF  }
0xae: {  	[dreg:$0x1] =	wrdreg $0xFFFFFFFF  }
0xaf: {  	[dreg:$0x0] =	wrdreg $0x60  }
0xb0: {  	[dreg:$0x2] =	wrdreg s2  }
0xb1: {  	[dreg:$0x3] =	wrdreg s24  }
0xb2: {  	[dreg:$0x4] =	wrdreg s18  }
0xb3: {  	[dreg:$0x5] =	wrdreg s4  }
0xb4: {  	[dreg:$0x6] =	wrdreg $0x9  }
0xb5: {  	_ =	task.clear_ibuf [dreg:s9], $0x7FFFF;
	_ =	strace $0x90000046  }
0xb6: {  	s29 =	simm.s32 $0x9;
	_ =	strace $0x80000048  }
0xb7: {  	_ =	swait.ge [sflag:s29], $0x1  }
0xb8: {  	[sflag:s29] =	ssyncadd.s32 $0xFFFFFFFF  }
0xb9: {  	_ =	strace $0x90000048  }
0xba: {  	_ =	sfence  }
0xbb: {  	s30 =	sld [smem:$0x0];
	_ =	sdelay $0x2  }
0xbc: {  	s31 =	sshll.u32 s1, $0xD;
	s1 =	sshrl.u32 s1, $0x2  }
0xbd: {  	s3 =	sand.u32 $0x4000, s31;
	s1 =	sadd.s32 s1, s30  }
0xbe: {  	s0 =	sor.u32 s3, s0;
	s1 =	sshll.u32 s1, $0x11  }
0xbf: {  	s0 =	sor.u32 s1, s0  }
0xc0: {  	s0 =	sadd.s32 $0x8F2B, s0  }
0xc1: {  	[sflag:s0] =	ssyncadd.remote.s32 $0x1  }
0xc2: {  	_ =	sfence.sel $0xFFFF  }
0xc3: {  	[dreg:$0x0] =	wrdreg $0xFFFFFFFF;
	(pc) =	sbr.abs _section_cstart, $3  }
0xc4: {  	[dreg:$0x1] =	wrdreg $0xFFFFFFFF  }
0xc5: {  	_ =	task.clear_ibuf [dreg:s9], $0x2FFFF;
	_ =	strace $0x9FFFFFFF  }
0xc6: {  	(tm) =	ssettm $0x7FFFFFFF  }
0xc7: {  	_ =	shalt  }
tec
execute0_lowered:
.L_overlay_start_1:
0x0: {  	(tag) =	ssettag $0x1  }
0x1: {  	s0 =	srdreg.scid  }
0x2: {  	s2 =	rddreg [dreg:$0x0];
	s0 =	sand.u32 $0x1, s0  }
0x3: {  	s3 =	stileid.u32;
	s25 =	rddreg [dreg:$0x1];
	s1 =	sshll.u32 s0, $0x4  }
0x4: {  	s31 =	simm.s32 $0x8000;
	s24 =	ssub.s32 $0x2, s0;
	s3 =	sor.u32 s3, s1  }
0x5: {  	s6 =	sadd.s32 $0x800, s25;
	s5 =	sshrl.u32 s24, $0x1;
	s4 =	sshll.u32 s3, $0x9  }
0x6: {  	s1 =	ssub.s32 s24, s5;
	s26 =	sshll.u32 s3, $0xA;
	s12 =	sshll.u32 s3, $0xF  }
0x7: {  	s7 =	sshll.u32 s3, $0xE;
	s3 =	sshll.u32 s3, $0x7;
	s0 =	sadd.s32 s4, s25  }
0x8: {  	s5 =	sadd.s32 s2, s12;
	s13 =	sadd.s32 s6, s7;
	s9 =	sor.u32 $0x100, s26  }
0x9: {  	s10 =	sor.u32 $0x200, s26;
	s12 =	sor.u32 $0x280, s26;
	s23 =	sor.u32 $0x300, s26  }
0xa: {  	s4 =	sor.u32 $0x380, s26;
	s30 =	smax.u32 s1, $0x1;
	[dreg:$0x5] =	wrdreg s5  }
0xb: {  	s1 =	simm.s32 $0x14000;
	[dreg:$0x6] =	wrdreg s13;
	s5 =	sor.u32 $0x80, s26  }
0xc: {  	s16 =	sshll.u32 s9, $0x5;
	s17 =	sshll.u32 s9, $0x4;
	s11 =	sshll.u32 s10, $0x5  }
0xd: {  	s20 =	sshll.u32 s10, $0x4;
	s13 =	sshll.u32 s12, $0x5;
	s21 =	sshll.u32 s23, $0x5  }
0xe: {  	s22 =	sshll.u32 s12, $0x4;
	s25 =	sshll.u32 s23, $0x4;
	s9 =	sshrl.u32 s9, $0x3  }
0xf: {  	s23 =	sshrl.u32 s23, $0x3;
	s29 =	sadd.s32 $0x80800, s0;
	s0 =	simm.s32 $0x10000  }
0x10: {  	s14 =	sshll.u32 s5, $0x5;
	s8 =	sshll.u32 s5, $0x4;
	s11 =	sadd.s32 s2, s11  }
0x11: {  	s13 =	sadd.s32 s2, s13;
	s24 =	sadd.s32 s6, s20;
	[dreg:$0xc] =	wrdreg s11  }
0x12: {  	s7 =	sadd.s32 s2, s14;
	s15 =	sadd.s32 s6, s8;
	[dreg:$0xd] =	wrdreg s13  }
0x13: {  	s8 =	sor.u32 $0x180, s26;
	s14 =	sshll.u32 s4, $0x5;
	[dreg:$0x11] =	wrdreg s24  }
0x14: {  	s13 =	sadd.s32 s2, s21;
	s26 =	sshll.u32 s4, $0x4;
	[dreg:$0x7] =	wrdreg s7  }
0x15: {  	[dreg:$0x8] =	wrdreg s15;
	s7 =	sadd.s32 s2, s16;
	s18 =	sshll.u32 s8, $0x5  }
0x16: {  	s19 =	sshll.u32 s8, $0x4;
	[dreg:$0xe] =	wrdreg s13;
	s15 =	simm.s32 $0x0  }
0x17: {  	s16 =	sadd.s32 s6, s25;
	s11 =	sshrl.u32 s8, $0x3;
	[dreg:$0x9] =	wrdreg s7  }
0x18: {  	s13 =	sshrl.u32 s10, $0x3;
	s7 =	sadd.s32 s6, s17;
	[smem:$0x7FF] =	sst s15  }
0x19: {  	s25 =	sshrl.u32 s4, $0x3;
	[dreg:$0xa] =	wrdreg s7;
	s7 =	sadd.s32 s2, s18  }
0x1a: {  	s4 =	simm.s32 $0x18180;
	s2 =	sadd.s32 s2, s14;
	[dreg:$0xb] =	wrdreg s7  }
0x1b: {  	s17 =	sadd.s32 s6, s26;
	[dreg:$0xf] =	wrdreg s2;
	s7 =	sadd.s32 s6, s19  }
0x1c: {  	s14 =	sshrl.u32 s12, $0x3;
	s2 =	sadd.s32 s6, s22;
	[dreg:$0x10] =	wrdreg s7  }
0x1d: {  	s6 =	sshrl.u32 s5, $0x3;
	s5 =	simm.s32 $0x2;
	s7 =	rddreg [dreg:$0x3]  }
0x1e: {  	[dreg:$0x12] =	wrdreg s2;
	s2 =	simm.s32 $0x18080;
	s18 =	sadd.s32 s7, s3  }
0x1f: {  	s19 =	sadd.s32 s7, s6;
	s20 =	sadd.s32 s7, s9;
	s21 =	sadd.s32 s7, s11  }
0x20: {  	s22 =	sadd.s32 s7, s13;
	s24 =	sadd.s32 s7, s14;
	s26 =	sadd.s32 s7, s23  }
0x21: {  	s28 =	sadd.s32 s7, s25;
	_ =	strace $0x80000047;
	s23 =	simm.s32 $0x3  }
0x22: {  	v0 =	vimm.f32 $0.0e+00;
	v1 =	vlaneseq.u32;
	s25 =	simm.s32 $0x18000;
	s3 =	simm.s32 $0x1;
	s6 =	simm.s32 $0x0  }
.LBB2_1:
0x23: {  	s7 =	rddreg [dreg:$0x2];
	s8 =	simm.s32 $0x18100  }
0x24: {  	[tilespmem:s8], [sflag:$0x3] =	stream.linear.gather [hbm4b:s7+s15], $0x80, $0x38;
	[tilespmem:$0x19180] =	vst v63  }
0x25: {  	_ =	swait.ge [sflag:s23], $0x80  }
0x26: {  	s13 =	sand.u32 $0x800, s15;
	s14 =	sand.u32 $0x380, s15;
	[sflag:s23] =	ssyncset.done $0x0  }
0x27: {  	s8 =	sor.u32 s14, s13;
	[sflag:s23] =	ssyncadd.s32 $0xFFFFFF80  }
0x28: {  	s7 =	sadd.s32 $0x18180, s8;
	[tilespmem:s8+$0x18180] =	vst v0  }
0x29: {  	[tilespmem:s7+$0x40] =	vst v0  }
0x2a: {  	[tilespmem:s7+$0x50] =	vst v0  }
0x2b: {  	[tilespmem:s7+$0x60] =	vst v0  }
0x2c: {  	[tilespmem:s7+$0x70] =	vst v0  }
0x2d: {  	[tilespmem:s7+$0x400] =	vst v0  }
0x2e: {  	[tilespmem:s7+$0x410] =	vst v0  }
0x2f: {  	[tilespmem:s7+$0x420] =	vst v0  }
0x30: {  	[tilespmem:s7+$0x430] =	vst v0  }
0x31: {  	[tilespmem:s7+$0x440] =	vst v0  }
0x32: {  	[tilespmem:s7+$0x450] =	vst v0  }
0x33: {  	[tilespmem:s7+$0x460] =	vst v0  }
0x34: {  	[tilespmem:s7+$0x10] =	vst v0  }
0x35: {  	s9 =	simm.s32 $0x100;
	s8 =	simm.s32 $0x80;
	[tilespmem:s7+$0x20] =	vst v0  }
0x36: {  	s10 =	sand.u32 $0x800, s9;
	s9 =	simm.s32 $0x200;
	[tilespmem:s7+$0x30] =	vst v0;
	s11 =	sand.u32 $0x380, s8  }
.LBB2_2:
0x37: {  	p0 =	sne.s32 s9, $0xF00;
	s10 =	sor.u32 s11, s10;
	[tilespmem:s7+$0x470] =	vst v0  }
0x38: {  	s7 =	sadd.s32 $0x18180, s10;
	[tilespmem:s10+$0x18180] =	vst v0  }
0x39: {  	[tilespmem:s7+$0x10] =	vst v0  }
0x3a: {  	[tilespmem:s7+$0x20] =	vst v0  }
0x3b: {  	[tilespmem:s7+$0x30] =	vst v0  }
0x3c: {  	[tilespmem:s7+$0x40] =	vst v0  }
0x3d: {  	[tilespmem:s7+$0x50] =	vst v0  }
0x3e: {  	[tilespmem:s7+$0x60] =	vst v0  }
0x3f: {  	[tilespmem:s7+$0x70] =	vst v0  }
0x40: {  	[tilespmem:s7+$0x400] =	vst v0  }
0x41: {  	[tilespmem:s7+$0x410] =	vst v0  }
.Ltmp0:
0x42: {  	[tilespmem:s7+$0x420] =	vst v0;
	(pc) =	sbr.rel @p0 .LBB2_2-.Ltmp0, $4  }
0x43: {  	[tilespmem:s7+$0x430] =	vst v0  }
0x44: {  	[tilespmem:s7+$0x440] =	vst v0  }
0x45: {  	s8 =	sadd.s32 $0x80, s8;
	[tilespmem:s7+$0x450] =	vst v0  }
0x46: {  	s10 =	sand.u32 $0x800, s9;
	s11 =	sand.u32 $0x380, s8;
	s9 =	sadd.s32 $0x100, s9;
	[tilespmem:s7+$0x460] =	vst v0  }
0x47: {  	s8 =	sor.u32 s11, s10;
	[tilespmem:s7+$0x470] =	vst v0  }
0x48: {  	s11 =	sadd.s32 $0x18180, s8;
	[tilespmem:s8+$0x18180] =	vst v0  }
0x49: {  	[tilespmem:s11+$0x10] =	vst v0  }
0x4a: {  	[tilespmem:s11+$0x20] =	vst v0  }
0x4b: {  	[tilespmem:s11+$0x30] =	vst v0  }
0x4c: {  	[tilespmem:s11+$0x40] =	vst v0  }
0x4d: {  	[tilespmem:s11+$0x50] =	vst v0  }
0x4e: {  	[tilespmem:s11+$0x60] =	vst v0  }
0x4f: {  	[tilespmem:s11+$0x70] =	vst v0  }
0x50: {  	[tilespmem:s11+$0x400] =	vst v0  }
0x51: {  	[tilespmem:s11+$0x410] =	vst v0  }
0x52: {  	[tilespmem:s11+$0x420] =	vst v0  }
0x53: {  	[tilespmem:s11+$0x430] =	vst v0  }
0x54: {  	[tilespmem:s11+$0x440] =	vst v0  }
0x55: {  	[tilespmem:s11+$0x450] =	vst v0  }
0x56: {  	[tilespmem:s11+$0x460] =	vst v0  }
0x57: {  	s7 =	simm.s32 $0x0;
	s12 =	rddreg [dreg:$0x5];
	[tilespmem:s11+$0x470] =	vst v0  }
0x58: {  	[tilespmem:s7], [sflag:$0x1] =	stream.linear.gather [hbm4b:s12+s7], $0x8000, $0x38;
	[tilespmem:$0x19180] =	vst v63  }
0x59: {  	s13 =	rddreg [dreg:$0x6]  }
0x5a: {  	[tilespmem:s0], [sflag:$0x1] =	stream.linear.gather [hbm4b:s13+s7], $0x4000, $0x38;
	[tilespmem:$0x19180] =	vst v63  }
0x5b: {  	_ = 	snop  }
0x5c: {  	[tilespmem:s25], [sflag:$0x1] =	stream.linear.gather [hbm4b:s18+s7], $0x80, $0x38;
	[tilespmem:$0x19180] =	vst v63  }
0x5d: {  	s14 =	rddreg [dreg:$0x7]  }
0x5e: {  	[tilespmem:s31], [sflag:$0x2] =	stream.linear.gather [hbm4b:s14+s7], $0x8000, $0x38;
	[tilespmem:$0x19180] =	vst v63  }
0x5f: {  	s9 =	rddreg [dreg:$0x8]  }
0x60: {  	[tilespmem:s1], [sflag:$0x2] =	stream.linear.gather [hbm4b:s9+s7], $0x4000, $0x38;
	[tilespmem:$0x19180] =	vst v63  }
0x61: {  	_ = 	snop  }
0x62: {  	[tilespmem:s2], [sflag:$0x2] =	stream.linear.gather [hbm4b:s19+s7], $0x80, $0x38;
	[tilespmem:$0x19180] =	vst v63  }
0x63: {  	_ =	swait.ge [sflag:s3], $0x8000  }
0x64: {  	[sflag:s3] =	ssyncset.done $0x0  }
0x65: {  	v2 =	vmov s7;
	[sflag:s3] =	ssyncadd.s32 $0xFFFF8000  }
0x66: {  	v2 =	vand.u32 $0xFFFFFFFE, v2;
	_ =	swait.ge [sflag:s3], $0x4000  }
0x67: {  	v2 =	vbroadcast v2, $0x0;
	[sflag:s3] =	ssyncset.done $0x0  }
0x68: {  	[sflag:s3] =	ssyncadd.s32 $0xFFFFC000  }
0x69: {  	s10 =	simm.s32 $0x1;
	_ =	swait.ge [sflag:s3], $0x80  }
0x6a: {  	v3 =	vmov s10;
	[sflag:s3] =	ssyncset.done $0x0  }
0x6b: {  	s8 =	simm.s32 $0x10080;
	[sflag:s3] =	ssyncadd.s32 $0xFFFFFF80  }
0x6c: {  	v4 =	vld [tilespmem:s8+$0xFFFFFF80]  }
0x6d: {  	v2 =	vld.idx.msk [tilespmem:v2+s25+$0x0], $0xffff  }
0x6e: {  	s9 =	simm.s32 $0x2;
	v5 =	vld [tilespmem:s8+$0xFFFFFF90]  }
0x6f: {  	v8 =	vmov s9;
	v6 =	vld.idx.msk [tilespmem:v3+s25+$0x0], $0xffff  }
0x70: {  	v8 =	vand.u32 $0xFFFFFFFE, v8;
	v3 =	vld [tilespmem:s8+$0xFFFFFFA0]  }
0x71: {  	s12 =	simm.s32 $0x0;
	v8 =	vbroadcast v8, $0x0;
	v7 =	vld [tilespmem:s8+$0x0]  }
0x72: {  	s9 =	sand.u32 $0x300, s12;
	s7 =	sand.u32 $0x800, s7;
	v10 =	vld [tilespmem:s8+$0xFFFFFFB0]  }
0x73: {  	s13 =	simm.s32 $0x80;
	s9 =	sor.u32 s9, s7;
	v11 =	vld [tilespmem:s8+$0x10]  }
0x74: {  	s11 =	simm.s32 $0x3;
	s14 =	sand.u32 $0x380, s13;
	v12 =	vld [tilespmem:s9+$0x0];
	v4 =	vadd.f32 v5, v4;
	v5 =	vshll.u32 v2, $0x8;
	v2 =	vshll.u32 v2, $0x7  }
0x75: {  	v9 =	vmov s11;
	s7 =	sor.u32 s14, s7;
	v13 =	vld [tilespmem:s8+$0x20];
	v5 =	vand.u32 $0xFFFFF800, v5;
	v2 =	vand.u32 $0x380, v2  }
0x76: {  	v14 =	vld [tilespmem:s7+$0x0];
	v3 =	vadd.f32 v3, v4;
	v2 =	vor.u32 v5, v2  }
0x77: {  	v15 =	vld.idx.msk [tilespmem:v8+s25+$0x0], $0xffff;
	v2 =	vor.u32 v1, v2  }
0x78: {  	s9 =	simm.s32 $0x10180;
	v4 =	vld [tilespmem:s8+$0x30];
	v5 =	vadd.f32 v10, v3  }
0x79: {  	v7 =	vadd.f32 v11, v7;
	v11 =	vld [tilespmem:s9+$0xFFFFFF90]  }
0x7a: {  	v3 =	vld.idx.msk [tilespmem:v9+s25+$0x0], $0xffff;
	v5 =	vmul.f32 v12, v5  }
0x7b: {  	v7 =	vadd.f32 v13, v7;
	v10 =	vld [tilespmem:s9+$0xFFFFFF80]  }
0x7c: {  	[tilespmem:v2+s4+$0x0] =	vst.idx.add.f32.msk $0xffff, v5  }
0x7d: {  	v2 =	vadd.f32 v4, v7;
	v5 =	vld [tilespmem:s9+$0x0];
	v4 =	vshll.u32 v6, $0x8;
	v7 =	vshll.u32 v6, $0x7  }
0x7e: {  	s10 =	simm.s32 $0x4;
	s11 =	simm.s32 $0x5;
	v6 =	vld [tilespmem:s9+$0xFFFFFFA0];
	v4 =	vand.u32 $0xFFFFF800, v4;
	v8 =	vand.u32 $0x380, v7  }
0x7f: {  	s12 =	simm.s32 $0x100;
	s7 =	simm.s32 $0x180;
	s8 =	simm.s32 $0x200;
	v13 =	vshll.u32 v15, $0x8;
	v9 =	vmov s10;
	v7 =	vld [tilespmem:s9+$0x10];
	v4 =	vor.u32 v4, v8  }
0x80: {  	s13 =	sand.u32 $0x380, s7;
	s14 =	sand.u32 $0x800, s8;
	v12 =	vand.u32 $0xFFFFFFFE, v9;
	v9 =	vmov s11;
	s11 =	sand.u32 $0x300, s12;
	v8 =	vld [tilespmem:s9+$0xFFFFFFB0];
	v4 =	vor.u32 v1, v4  }
0x81: {  	s10 =	simm.s32 $0x6;
	s12 =	sor.u32 s11, s14;
	s11 =	sor.u32 s13, s14;
	v11 =	vadd.f32 v11, v10;
	v10 =	vld [tilespmem:s9+$0x20];
	v2 =	vmul.f32 v14, v2;
	v14 =	vshll.u32 v15, $0x7  }
.LBB2_4:
0x82: {  	p0 =	slt.u32 s10, $0xE;
	v12 =	vbroadcast v12, $0x0;
	v15 =	vld [tilespmem:s12+$0x0];
	v13 =	vand.u32 $0xFFFFF800, v13;
	v14 =	vand.u32 $0x380, v14  }
0x83: {  	v6 =	vadd.f32 v6, v11;
	v11 =	vor.u32 v13, v14;
	v13 =	vld [tilespmem:s9+$0x30]  }
0x84: {  	v11 =	vor.u32 v1, v11;
	v5 =	vadd.f32 v7, v5;
	v7 =	vld [tilespmem:s11+$0x0]  }
0x85: {  	v6 =	vadd.f32 v8, v6;
	[tilespmem:v4+s4+$0x0] =	vst.idx.add.f32.msk $0xffff, v2  }
0x86: {  	s9 =	sadd.s32 $0x100, s9;
	v4 =	vld.idx.msk [tilespmem:v9+s25+$0x0], $0xffff;
	v2 =	vadd.f32 v10, v5  }
0x87: {  	v10 =	vld [tilespmem:s9+$0xFFFFFF80];
	v5 =	vmul.f32 v15, v6  }
0x88: {  	v14 =	vld.idx.msk [tilespmem:v12+s25+$0x0], $0xffff;
	v2 =	vadd.f32 v13, v2  }
0x89: {  	[tilespmem:v11+s4+$0x0] =	vst.idx.add.f32.msk $0xffff, v5  }
0x8a: {  	v11 =	vld [tilespmem:s9+$0xFFFFFF90];
	v2 =	vmul.f32 v7, v2  }
.Ltmp1:
0x8b: {  	v12 =	vshll.u32 v3, $0x7;
	v7 =	vshll.u32 v3, $0x8;
	v5 =	vld [tilespmem:s9+$0x0];
	(pc) =	sbr.rel @p0 .LBB2_4-.Ltmp1, $4  }
0x8c: {  	s7 =	sadd.s32 $0x100, s7;
	s11 =	sadd.s32 $0x1, s10;
	v9 =	vand.u32 $0x380, v12;
	v8 =	vand.u32 $0xFFFFF800, v7;
	v3 =	vmov v4;
	v6 =	vld [tilespmem:s9+$0xFFFFFFA0]  }
0x8d: {  	s8 =	sadd.s32 $0x200, s8;
	s12 =	sadd.s32 $0xFFFFFF80, s7;
	s13 =	sand.u32 $0x380, s7;
	v4 =	vmov s10;
	v13 =	vor.u32 v8, v9;
	v7 =	vld [tilespmem:s9+$0x10]  }
0x8e: {  	s12 =	sand.u32 $0x300, s12;
	v12 =	vand.u32 $0xFFFFFFFE, v4;
	v9 =	vmov s11;
	s11 =	sand.u32 $0x800, s8;
	v4 =	vor.u32 v1, v13;
	v8 =	vld [tilespmem:s9+$0xFFFFFFB0]  }
0x8f: {  	s10 =	sadd.s32 $0x2, s10;
	s12 =	sor.u32 s12, s11;
	v13 =	vshll.u32 v14, $0x8;
	v14 =	vshll.u32 v14, $0x7;
	s11 =	sor.u32 s13, s11;
	v11 =	vadd.f32 v11, v10;
	v10 =	vld [tilespmem:s9+$0x20]  }
0x90: {  	_ =	sdelay $0x2  }
0x91: {  	v16 =	vld [tilespmem:s9+$0x30]  }
0x92: {  	v9 =	vld.idx.msk [tilespmem:v9+s25+$0x0], $0xffff;
	s14 =	sadd.s32 $0x100, s9  }
0x93: {  	v12 =	vbroadcast v12, $0x0;
	v17 =	vld [tilespmem:s14+$0xFFFFFF80]  }
0x94: {  	v13 =	vand.u32 $0xFFFFF800, v13;
	v14 =	vand.u32 $0x380, v14;
	v18 =	vld [tilespmem:s14+$0xFFFFFF90]  }
0x95: {  	v13 =	vor.u32 v13, v14;
	v14 =	vld [tilespmem:s14+$0x10]  }
0x96: {  	v5 =	vadd.f32 v7, v5;
	v7 =	vld [tilespmem:s14+$0x0]  }
0x97: {  	v6 =	vadd.f32 v6, v11;
	v11 =	vor.u32 v1, v13;
	v13 =	vld [tilespmem:s14+$0xFFFFFFA0]  }
0x98: {  	v15 =	vld [tilespmem:s12+$0x0];
	v5 =	vadd.f32 v10, v5;
	v10 =	vshll.u32 v3, $0x8;
	v3 =	vshll.u32 v3, $0x7  }
0x99: {  	v6 =	vadd.f32 v8, v6;
	v8 =	vand.u32 $0xFFFFF800, v10;
	v3 =	vand.u32 $0x380, v3;
	v12 =	vld.idx.msk [tilespmem:v12+s25+$0x0], $0xffff  }
0x9a: {  	v10 =	vld [tilespmem:s14+$0x20];
	v3 =	vor.u32 v8, v3;
	v8 =	vadd.f32 v18, v17  }
0x9b: {  	v19 =	vld [tilespmem:s11+$0x0];
	s7 =	sadd.s32 $0x100, s7;
	s8 =	sadd.s32 $0x200, s8;
	v5 =	vadd.f32 v16, v5;
	v7 =	vadd.f32 v14, v7  }
0x9c: {  	s10 =	sadd.s32 $0xFFFFFF80, s7;
	s8 =	sand.u32 $0x800, s8;
	s7 =	sand.u32 $0x380, s7;
	v14 =	vshll.u32 v9, $0x8;
	v9 =	vshll.u32 v9, $0x7;
	v8 =	vadd.f32 v13, v8;
	v13 =	vld [tilespmem:s14+$0x30]  }
0x9d: {  	v60 =	vld [tilespmem:s14+$0xFFFFFFB0];
	s10 =	sand.u32 $0x300, s10;
	s7 =	sor.u32 s7, s8;
	v3 =	vor.u32 v1, v3;
	v14 =	vand.u32 $0xFFFFF800, v14;
	v9 =	vand.u32 $0x380, v9  }
0x9e: {  	s10 =	sor.u32 s10, s8;
	v63 =	vld [tilespmem:s7+$0x0];
	v9 =	vor.u32 v14, v9;
	v61 =	vshll.u32 v12, $0x8;
	v12 =	vshll.u32 v12, $0x7  }
0x9f: {  	v62 =	vld [tilespmem:s10+$0x0];
	v7 =	vadd.f32 v10, v7;
	v17 =	vand.u32 $0xFFFFF800, v61;
	v12 =	vand.u32 $0x380, v12  }
0xa0: {  	[tilespmem:v4+s4+$0x0] =	vst.idx.add.f32.msk $0xffff, v2;
	v9 =	vor.u32 v1, v9;
	v12 =	vor.u32 v17, v12  }
0xa1: {  	v2 =	vmul.f32 v19, v5;
	v4 =	vadd.f32 v13, v7;
	v10 =	vor.u32 v1, v12  }
0xa2: {  	v6 =	vmul.f32 v15, v6;
	v8 =	vadd.f32 v60, v8  }
0xa3: {  	[tilespmem:v3+s4+$0x0] =	vst.idx.add.f32.msk $0xffff, v2;
	v2 =	vmul.f32 v63, v4  }
0xa4: {  	[tilespmem:v11+s4+$0x0] =	vst.idx.add.f32.msk $0xffff, v6;
	v5 =	vmul.f32 v62, v8  }
0xa5: {  	[tilespmem:v9+s4+$0x0] =	vst.idx.add.f32.msk $0xffff, v2  }
0xa6: {  	[tilespmem:v10+s4+$0x0] =	vst.idx.add.f32.msk $0xffff, v5  }
0xa7: {  	s7 =	simm.s32 $0x0;
	s10 =	rddreg [dreg:$0x9]  }
0xa8: {  	[tilespmem:s7], [sflag:$0x1] =	stream.linear.gather [hbm4b:s10+s7], $0x8000, $0x38;
	[tilespmem:$0x19180] =	vst v63  }
0xa9: {  	s11 =	rddreg [dreg:$0xa]  }
0xaa: {  	[tilespmem:s0], [sflag:$0x1] =	stream.linear.gather [hbm4b:s11+s7], $0x4000, $0x38;
	[tilespmem:$0x19180] =	vst v63  }
0xab: {  	_ = 	snop  }
0xac: {  	[tilespmem:s25], [sflag:$0x1] =	stream.linear.gather [hbm4b:s20+s7], $0x80, $0x38;
	[tilespmem:$0x19180] =	vst v63  }
0xad: {  	_ =	swait.ge [sflag:s5], $0x8000  }
0xae: {  	[sflag:s5] =	ssyncset.done $0x0  }
0xaf: {  	v2 =	vmov s7;
	[sflag:s5] =	ssyncadd.s32 $0xFFFF8000  }
0xb0: {  	v2 =	vand.u32 $0xFFFFFFFE, v2;
	_ =	swait.ge [sflag:s5], $0x4000  }
0xb1: {  	v2 =	vbroadcast v2, $0x0;
	[sflag:s5] =	ssyncset.done $0x0  }
0xb2: {  	[sflag:s5] =	ssyncadd.s32 $0xFFFFC000  }
0xb3: {  	s12 =	simm.s32 $0x1;
	_ =	swait.ge [sflag:s5], $0x80  }
0xb4: {  	v3 =	vmov s12;
	[sflag:s5] =	ssyncset.done $0x0  }
0xb5: {  	s8 =	simm.s32 $0x14080;
	[sflag:s5] =	ssyncadd.s32 $0xFFFFFF80  }
0xb6: {  	v4 =	vld [tilespmem:s8+$0xFFFFFF80]  }
0xb7: {  	v2 =	vld.idx.msk [tilespmem:v2+s2+$0x0], $0xffff  }
0xb8: {  	s13 =	simm.s32 $0x2;
	v5 =	vld [tilespmem:s8+$0xFFFFFF90]  }
0xb9: {  	v8 =	vmov s13;
	v6 =	vld.idx.msk [tilespmem:v3+s2+$0x0], $0xffff  }
0xba: {  	v8 =	vand.u32 $0xFFFFFFFE, v8;
	v3 =	vld [tilespmem:s8+$0xFFFFFFA0]  }
0xbb: {  	v8 =	vbroadcast v8, $0x0;
	s11 =	simm.s32 $0x0;
	s7 =	sand.u32 $0x800, s7;
	v7 =	vld [tilespmem:s8+$0x0]  }
0xbc: {  	s9 =	sand.u32 $0x300, s11;
	s7 =	sor.u32 $0x8000, s7;
	v10 =	vld [tilespmem:s8+$0xFFFFFFB0]  }
0xbd: {  	s12 =	simm.s32 $0x80;
	s9 =	sor.u32 s9, s7;
	v11 =	vld [tilespmem:s8+$0x10]  }
0xbe: {  	s13 =	sand.u32 $0x380, s12;
	v12 =	vld [tilespmem:s9+$0x0]  }
0xbf: {  	s14 =	simm.s32 $0x3;
	s7 =	sor.u32 s13, s7;
	v13 =	vld [tilespmem:s8+$0x20];
	v4 =	vadd.f32 v5, v4;
	v5 =	vshll.u32 v2, $0x8;
	v2 =	vshll.u32 v2, $0x7  }
0xc0: {  	v9 =	vmov s14;
	v14 =	vld [tilespmem:s7+$0x0];
	v5 =	vand.u32 $0xFFFFF800, v5;
	v2 =	vand.u32 $0x380, v2  }
0xc1: {  	v15 =	vld.idx.msk [tilespmem:v8+s2+$0x0], $0xffff;
	v3 =	vadd.f32 v3, v4;
	v2 =	vor.u32 v5, v2  }
0xc2: {  	s9 =	simm.s32 $0x14180;
	v4 =	vld [tilespmem:s8+$0x30];
	v2 =	vor.u32 v1, v2  }
0xc3: {  	v8 =	vld [tilespmem:s9+$0x10];
	v7 =	vadd.f32 v11, v7;
	v5 =	vadd.f32 v10, v3  }
0xc4: {  	v11 =	vld [tilespmem:s9+$0xFFFFFF90]  }
0xc5: {  	v7 =	vadd.f32 v13, v7;
	v3 =	vld.idx.msk [tilespmem:v9+s2+$0x0], $0xffff;
	v5 =	vmul.f32 v12, v5  }
0xc6: {  	v10 =	vld [tilespmem:s9+$0xFFFFFF80]  }
0xc7: {  	[tilespmem:v2+s4+$0x0] =	vst.idx.add.f32.msk $0xffff, v5;
	v2 =	vadd.f32 v4, v7;
	v4 =	vshll.u32 v6, $0x8;
	v7 =	vshll.u32 v6, $0x7  }
0xc8: {  	s12 =	simm.s32 $0x100;
	s14 =	simm.s32 $0x4;
	s7 =	simm.s32 $0x200;
	v6 =	vld [tilespmem:s9+$0xFFFFFFA0];
	v4 =	vand.u32 $0xFFFFF800, v4;
	v7 =	vand.u32 $0x380, v7  }
0xc9: {  	s11 =	simm.s32 $0x5;
	s8 =	simm.s32 $0x180;
	v13 =	vshll.u32 v15, $0x8;
	v9 =	vmov s14;
	s14 =	sand.u32 $0x800, s7;
	v5 =	vld [tilespmem:s9+$0x0];
	v4 =	vor.u32 v4, v7  }
0xca: {  	s13 =	sand.u32 $0x380, s8;
	s14 =	sor.u32 $0x8000, s14;
	v12 =	vand.u32 $0xFFFFFFFE, v9;
	v9 =	vmov s11;
	s11 =	sand.u32 $0x300, s12;
	v7 =	vld [tilespmem:s9+$0xFFFFFFB0];
	v4 =	vor.u32 v1, v4  }
0xcb: {  	s10 =	simm.s32 $0x6;
	s12 =	sor.u32 s11, s14;
	s11 =	sor.u32 s13, s14;
	v11 =	vadd.f32 v11, v10;
	v10 =	vld [tilespmem:s9+$0x20];
	v2 =	vmul.f32 v14, v2;
	v14 =	vshll.u32 v15, $0x7  }
.LBB2_6:
0xcc: {  	p0 =	slt.u32 s10, $0xE;
	v12 =	vbroadcast v12, $0x0;
	v15 =	vld [tilespmem:s12+$0x0];
	v13 =	vand.u32 $0xFFFFF800, v13;
	v14 =	vand.u32 $0x380, v14  }
0xcd: {  	v6 =	vadd.f32 v6, v11;
	v11 =	vor.u32 v13, v14;
	v13 =	vld [tilespmem:s9+$0x30]  }
0xce: {  	v11 =	vor.u32 v1, v11;
	v5 =	vadd.f32 v8, v5;
	v8 =	vld [tilespmem:s11+$0x0]  }
0xcf: {  	v6 =	vadd.f32 v7, v6;
	[tilespmem:v4+s4+$0x0] =	vst.idx.add.f32.msk $0xffff, v2  }
0xd0: {  	s9 =	sadd.s32 $0x100, s9;
	v4 =	vld.idx.msk [tilespmem:v9+s2+$0x0], $0xffff;
	v2 =	vadd.f32 v10, v5  }
0xd1: {  	v10 =	vld [tilespmem:s9+$0xFFFFFF80];
	v5 =	vmul.f32 v15, v6  }
0xd2: {  	v14 =	vld.idx.msk [tilespmem:v12+s2+$0x0], $0xffff;
	v2 =	vadd.f32 v13, v2  }
0xd3: {  	[tilespmem:v11+s4+$0x0] =	vst.idx.add.f32.msk $0xffff, v5  }
0xd4: {  	v11 =	vld [tilespmem:s9+$0xFFFFFF90];
	v2 =	vmul.f32 v8, v2  }
.Ltmp2:
0xd5: {  	v7 =	vshll.u32 v3, $0x8;
	v8 =	vshll.u32 v3, $0x7;
	v5 =	vld [tilespmem:s9+$0x0];
	(pc) =	sbr.rel @p0 .LBB2_6-.Ltmp2, $4  }
0xd6: {  	s8 =	sadd.s32 $0x100, s8;
	s7 =	sadd.s32 $0x200, s7;
	s11 =	sadd.s32 $0x1, s10;
	v7 =	vand.u32 $0xFFFFF800, v7;
	v9 =	vand.u32 $0x380, v8;
	v3 =	vmov v4;
	v6 =	vld [tilespmem:s9+$0xFFFFFFA0]  }
0xd7: {  	s12 =	sadd.s32 $0xFFFFFF80, s8;
	s13 =	sand.u32 $0x800, s7;
	s14 =	sand.u32 $0x380, s8;
	v4 =	vmov s10;
	v13 =	vor.u32 v7, v9;
	v8 =	vld [tilespmem:s9+$0x10]  }
0xd8: {  	s13 =	sor.u32 $0x8000, s13;
	v12 =	vand.u32 $0xFFFFFFFE, v4;
	v9 =	vmov s11;
	s11 =	sand.u32 $0x300, s12;
	v4 =	vor.u32 v1, v13;
	v7 =	vld [tilespmem:s9+$0xFFFFFFB0]  }
0xd9: {  	s10 =	sadd.s32 $0x2, s10;
	s12 =	sor.u32 s11, s13;
	v13 =	vshll.u32 v14, $0x8;
	v14 =	vshll.u32 v14, $0x7;
	s11 =	sor.u32 s14, s13;
	v11 =	vadd.f32 v11, v10;
	v10 =	vld [tilespmem:s9+$0x20]  }
0xda: {  	_ =	sdelay $0x1  }
0xdb: {  	v15 =	vld [tilespmem:s12+$0x0]  }
0xdc: {  	v16 =	vld [tilespmem:s9+$0x30]  }
0xdd: {  	v9 =	vld.idx.msk [tilespmem:v9+s2+$0x0], $0xffff;
	s12 =	sadd.s32 $0x100, s9  }
0xde: {  	v12 =	vbroadcast v12, $0x0;
	v17 =	vld [tilespmem:s12+$0xFFFFFF80]  }
0xdf: {  	v13 =	vand.u32 $0xFFFFF800, v13;
	v14 =	vand.u32 $0x380, v14;
	v18 =	vld [tilespmem:s12+$0xFFFFFF90]  }
0xe0: {  	v13 =	vor.u32 v13, v14;
	v14 =	vld [tilespmem:s12+$0x10]  }
0xe1: {  	v5 =	vadd.f32 v8, v5;
	v8 =	vld [tilespmem:s12+$0x0]  }
0xe2: {  	v6 =	vadd.f32 v6, v11;
	v11 =	vor.u32 v1, v13;
	v13 =	vld [tilespmem:s12+$0xFFFFFFA0]  }
0xe3: {  	v5 =	vadd.f32 v10, v5;
	v10 =	vshll.u32 v3, $0x8;
	v3 =	vshll.u32 v3, $0x7  }
0xe4: {  	v6 =	vadd.f32 v7, v6;
	v7 =	vand.u32 $0xFFFFF800, v10;
	v3 =	vand.u32 $0x380, v3;
	v12 =	vld.idx.msk [tilespmem:v12+s2+$0x0], $0xffff  }
0xe5: {  	s8 =	sadd.s32 $0x100, s8;
	s7 =	sadd.s32 $0x200, s7;
	v10 =	vld [tilespmem:s12+$0x20];
	v3 =	vor.u32 v7, v3;
	v7 =	vadd.f32 v18, v17  }
0xe6: {  	v19 =	vld [tilespmem:s11+$0x0];
	s10 =	sadd.s32 $0xFFFFFF80, s8;
	s7 =	sand.u32 $0x800, s7;
	v5 =	vadd.f32 v16, v5;
	v8 =	vadd.f32 v14, v8  }
0xe7: {  	s8 =	sand.u32 $0x380, s8;
	s10 =	sand.u32 $0x300, s10;
	s7 =	sor.u32 $0x8000, s7;
	v14 =	vshll.u32 v9, $0x8;
	v9 =	vshll.u32 v9, $0x7;
	v7 =	vadd.f32 v13, v7;
	v13 =	vld [tilespmem:s12+$0x30]  }
0xe8: {  	v60 =	vld [tilespmem:s12+$0xFFFFFFB0];
	s10 =	sor.u32 s10, s7;
	s7 =	sor.u32 s8, s7;
	v3 =	vor.u32 v1, v3;
	v14 =	vand.u32 $0xFFFFF800, v14;
	v9 =	vand.u32 $0x380, v9  }
0xe9: {  	v63 =	vld [tilespmem:s7+$0x0];
	v9 =	vor.u32 v14, v9;
	v61 =	vshll.u32 v12, $0x8;
	v12 =	vshll.u32 v12, $0x7  }
0xea: {  	v62 =	vld [tilespmem:s10+$0x0];
	v8 =	vadd.f32 v10, v8;
	v17 =	vand.u32 $0xFFFFF800, v61;
	v12 =	vand.u32 $0x380, v12  }
0xeb: {  	[tilespmem:v4+s4+$0x0] =	vst.idx.add.f32.msk $0xffff, v2;
	v9 =	vor.u32 v1, v9;
	v12 =	vor.u32 v17, v12  }
0xec: {  	v2 =	vmul.f32 v19, v5;
	v4 =	vadd.f32 v13, v8;
	v10 =	vor.u32 v1, v12  }
0xed: {  	v6 =	vmul.f32 v15, v6;
	v7 =	vadd.f32 v60, v7  }
0xee: {  	[tilespmem:v3+s4+$0x0] =	vst.idx.add.f32.msk $0xffff, v2;
	v2 =	vmul.f32 v63, v4  }
0xef: {  	[tilespmem:v11+s4+$0x0] =	vst.idx.add.f32.msk $0xffff, v6;
	v5 =	vmul.f32 v62, v7  }
0xf0: {  	[tilespmem:v9+s4+$0x0] =	vst.idx.add.f32.msk $0xffff, v2  }
0xf1: {  	[tilespmem:v10+s4+$0x0] =	vst.idx.add.f32.msk $0xffff, v5  }
0xf2: {  	s7 =	simm.s32 $0x0;
	s13 =	rddreg [dreg:$0xb]  }
0xf3: {  	[tilespmem:s31], [sflag:$0x2] =	stream.linear.gather [hbm4b:s13+s7], $0x8000, $0x38;
	[tilespmem:$0x19180] =	vst v63  }
0xf4: {  	s14 =	rddreg [dreg:$0x10]  }
0xf5: {  	[tilespmem:s1], [sflag:$0x2] =	stream.linear.gather [hbm4b:s14+s7], $0x4000, $0x38;
	[tilespmem:$0x19180] =	vst v63  }
0xf6: {  	_ = 	snop  }
0xf7: {  	[tilespmem:s2], [sflag:$0x2] =	stream.linear.gather [hbm4b:s21+s7], $0x80, $0x38;
	[tilespmem:$0x19180] =	vst v63  }
0xf8: {  	_ =	swait.ge [sflag:s3], $0x8000  }
0xf9: {  	[sflag:s3] =	ssyncset.done $0x0  }
0xfa: {  	v2 =	vmov s7;
	[sflag:s3] =	ssyncadd.s32 $0xFFFF8000  }
0xfb: {  	v2 =	vand.u32 $0xFFFFFFFE, v2;
	_ =	swait.ge [sflag:s3], $0x4000  }
0xfc: {  	v2 =	vbroadcast v2, $0x0;
	[sflag:s3] =	ssyncset.done $0x0  }
0xfd: {  	[sflag:s3] =	ssyncadd.s32 $0xFFFFC000  }
0xfe: {  	s9 =	simm.s32 $0x1;
	_ =	swait.ge [sflag:s3], $0x80  }
0xff: {  	v3 =	vmov s9;
	[sflag:s3] =	ssyncset.done $0x0  }
0x100: {  	s8 =	simm.s32 $0x10080;
	[sflag:s3] =	ssyncadd.s32 $0xFFFFFF80  }
0x101: {  	v4 =	vld [tilespmem:s8+$0xFFFFFF80]  }
0x102: {  	v2 =	vld.idx.msk [tilespmem:v2+s25+$0x0], $0xffff  }
0x103: {  	s10 =	simm.s32 $0x2;
	v5 =	vld [tilespmem:s8+$0xFFFFFF90]  }
0x104: {  	v8 =	vmov s10;
	v6 =	vld.idx.msk [tilespmem:v3+s25+$0x0], $0xffff  }
0x105: {  	v8 =	vand.u32 $0xFFFFFFFE, v8;
	v3 =	vld [tilespmem:s8+$0xFFFFFFA0]  }
0x106: {  	s12 =	simm.s32 $0x0;
	v8 =	vbroadcast v8, $0x0;
	v7 =	vld [tilespmem:s8+$0x0]  }
0x107: {  	s9 =	sand.u32 $0x300, s12;
	s7 =	sand.u32 $0x800, s7;
	v10 =	vld [tilespmem:s8+$0xFFFFFFB0]  }
0x108: {  	s13 =	simm.s32 $0x80;
	s9 =	sor.u32 s9, s7;
	v11 =	vld [tilespmem:s8+$0x10]  }
0x109: {  	s11 =	simm.s32 $0x3;
	s14 =	sand.u32 $0x380, s13;
	v12 =	vld [tilespmem:s9+$0x0];
	v4 =	vadd.f32 v5, v4;
	v5 =	vshll.u32 v2, $0x8;
	v2 =	vshll.u32 v2, $0x7  }
0x10a: {  	v9 =	vmov s11;
	s7 =	sor.u32 s14, s7;
	v13 =	vld [tilespmem:s8+$0x20];
	v5 =	vand.u32 $0xFFFFF800, v5;
	v2 =	vand.u32 $0x380, v2  }
0x10b: {  	v14 =	vld [tilespmem:s7+$0x0];
	v3 =	vadd.f32 v3, v4;
	v2 =	vor.u32 v5, v2  }
0x10c: {  	v15 =	vld.idx.msk [tilespmem:v8+s25+$0x0], $0xffff;
	v2 =	vor.u32 v1, v2  }
0x10d: {  	s9 =	simm.s32 $0x10180;
	v4 =	vld [tilespmem:s8+$0x30];
	v5 =	vadd.f32 v10, v3  }
0x10e: {  	v7 =	vadd.f32 v11, v7;
	v11 =	vld [tilespmem:s9+$0xFFFFFF90]  }
0x10f: {  	v3 =	vld.idx.msk [tilespmem:v9+s25+$0x0], $0xffff;
	v5 =	vmul.f32 v12, v5  }
0x110: {  	v7 =	vadd.f32 v13, v7;
	v10 =	vld [tilespmem:s9+$0xFFFFFF80]  }
0x111: {  	[tilespmem:v2+s4+$0x0] =	vst.idx.add.f32.msk $0xffff, v5  }
0x112: {  	v2 =	vadd.f32 v4, v7;
	v5 =	vld [tilespmem:s9+$0x0];
	v4 =	vshll.u32 v6, $0x8;
	v7 =	vshll.u32 v6, $0x7  }
0x113: {  	s12 =	simm.s32 $0x100;
	s10 =	simm.s32 $0x4;
	v6 =	vld [tilespmem:s9+$0xFFFFFFA0];
	v4 =	vand.u32 $0xFFFFF800, v4;
	v8 =	vand.u32 $0x380, v7  }
0x114: {  	s11 =	simm.s32 $0x5;
	s7 =	simm.s32 $0x180;
	s8 =	simm.s32 $0x200;
	v13 =	vshll.u32 v15, $0x8;
	v9 =	vmov s10;
	v7 =	vld [tilespmem:s9+$0x10];
	v4 =	vor.u32 v4, v8  }
0x115: {  	s13 =	sand.u32 $0x380, s7;
	s14 =	sand.u32 $0x800, s8;
	v12 =	vand.u32 $0xFFFFFFFE, v9;
	v9 =	vmov s11;
	s11 =	sand.u32 $0x300, s12;
	v8 =	vld [tilespmem:s9+$0xFFFFFFB0];
	v4 =	vor.u32 v1, v4  }
0x116: {  	s10 =	simm.s32 $0x6;
	s12 =	sor.u32 s11, s14;
	s11 =	sor.u32 s13, s14;
	v11 =	vadd.f32 v11, v10;
	v10 =	vld [tilespmem:s9+$0x20];
	v2 =	vmul.f32 v14, v2;
	v14 =	vshll.u32 v15, $0x7  }
.LBB2_8:
0x117: {  	p0 =	slt.u32 s10, $0xE;
	v12 =	vbroadcast v12, $0x0;
	v15 =	vld [tilespmem:s12+$0x0];
	v13 =	vand.u32 $0xFFFFF800, v13;
	v14 =	vand.u32 $0x380, v14  }
0x118: {  	v6 =	vadd.f32 v6, v11;
	v11 =	vor.u32 v13, v14;
	v13 =	vld [tilespmem:s9+$0x30]  }
0x119: {  	v11 =	vor.u32 v1, v11;
	v5 =	vadd.f32 v7, v5;
	v7 =	vld [tilespmem:s11+$0x0]  }
0x11a: {  	v6 =	vadd.f32 v8, v6;
	[tilespmem:v4+s4+$0x0] =	vst.idx.add.f32.msk $0xffff, v2  }
0x11b: {  	s9 =	sadd.s32 $0x100, s9;
	v4 =	vld.idx.msk [tilespmem:v9+s25+$0x0], $0xffff;
	v2 =	vadd.f32 v10, v5  }
0x11c: {  	v10 =	vld [tilespmem:s9+$0xFFFFFF80];
	v5 =	vmul.f32 v15, v6  }
0x11d: {  	v14 =	vld.idx.msk [tilespmem:v12+s25+$0x0], $0xffff;
	v2 =	vadd.f32 v13, v2  }
0x11e: {  	[tilespmem:v11+s4+$0x0] =	vst.idx.add.f32.msk $0xffff, v5  }
0x11f: {  	v11 =	vld [tilespmem:s9+$0xFFFFFF90];
	v2 =	vmul.f32 v7, v2  }
.Ltmp3:
0x120: {  	v12 =	vshll.u32 v3, $0x7;
	v7 =	vshll.u32 v3, $0x8;
	v5 =	vld [tilespmem:s9+$0x0];
	(pc) =	sbr.rel @p0 .LBB2_8-.Ltmp3, $4  }
0x121: {  	s7 =	sadd.s32 $0x100, s7;
	s11 =	sadd.s32 $0x1, s10;
	v9 =	vand.u32 $0x380, v12;
	v8 =	vand.u32 $0xFFFFF800, v7;
	v3 =	vmov v4;
	v6 =	vld [tilespmem:s9+$0xFFFFFFA0]  }
0x122: {  	s8 =	sadd.s32 $0x200, s8;
	s12 =	sadd.s32 $0xFFFFFF80, s7;
	s13 =	sand.u32 $0x380, s7;
	v4 =	vmov s10;
	v13 =	vor.u32 v8, v9;
	v7 =	vld [tilespmem:s9+$0x10]  }
0x123: {  	s12 =	sand.u32 $0x300, s12;
	v12 =	vand.u32 $0xFFFFFFFE, v4;
	v9 =	vmov s11;
	s11 =	sand.u32 $0x800, s8;
	v4 =	vor.u32 v1, v13;
	v8 =	vld [tilespmem:s9+$0xFFFFFFB0]  }
0x124: {  	s10 =	sadd.s32 $0x2, s10;
	s12 =	sor.u32 s12, s11;
	v13 =	vshll.u32 v14, $0x8;
	v14 =	vshll.u32 v14, $0x7;
	s11 =	sor.u32 s13, s11;
	v11 =	vadd.f32 v11, v10;
	v10 =	vld [tilespmem:s9+$0x20]  }
0x125: {  	_ =	sdelay $0x2  }
0x126: {  	v16 =	vld [tilespmem:s9+$0x30]  }
0x127: {  	v9 =	vld.idx.msk [tilespmem:v9+s25+$0x0], $0xffff;
	s14 =	sadd.s32 $0x100, s9  }
0x128: {  	v12 =	vbroadcast v12, $0x0;
	v17 =	vld [tilespmem:s14+$0xFFFFFF80]  }
0x129: {  	v13 =	vand.u32 $0xFFFFF800, v13;
	v14 =	vand.u32 $0x380, v14;
	v18 =	vld [tilespmem:s14+$0xFFFFFF90]  }
0x12a: {  	v13 =	vor.u32 v13, v14;
	v14 =	vld [tilespmem:s14+$0x10]  }
0x12b: {  	v5 =	vadd.f32 v7, v5;
	v7 =	vld [tilespmem:s14+$0x0]  }
0x12c: {  	v6 =	vadd.f32 v6, v11;
	v11 =	vor.u32 v1, v13;
	v13 =	vld [tilespmem:s14+$0xFFFFFFA0]  }
0x12d: {  	v15 =	vld [tilespmem:s12+$0x0];
	v5 =	vadd.f32 v10, v5;
	v10 =	vshll.u32 v3, $0x8;
	v3 =	vshll.u32 v3, $0x7  }
0x12e: {  	v6 =	vadd.f32 v8, v6;
	v8 =	vand.u32 $0xFFFFF800, v10;
	v3 =	vand.u32 $0x380, v3;
	v12 =	vld.idx.msk [tilespmem:v12+s25+$0x0], $0xffff  }
0x12f: {  	v10 =	vld [tilespmem:s14+$0x20];
	v3 =	vor.u32 v8, v3;
	v8 =	vadd.f32 v18, v17  }
0x130: {  	v19 =	vld [tilespmem:s11+$0x0];
	s7 =	sadd.s32 $0x100, s7;
	s8 =	sadd.s32 $0x200, s8;
	v5 =	vadd.f32 v16, v5;
	v7 =	vadd.f32 v14, v7  }
0x131: {  	s10 =	sadd.s32 $0xFFFFFF80, s7;
	s8 =	sand.u32 $0x800, s8;
	s7 =	sand.u32 $0x380, s7;
	v14 =	vshll.u32 v9, $0x8;
	v9 =	vshll.u32 v9, $0x7;
	v8 =	vadd.f32 v13, v8;
	v13 =	vld [tilespmem:s14+$0x30]  }
0x132: {  	v60 =	vld [tilespmem:s14+$0xFFFFFFB0];
	s10 =	sand.u32 $0x300, s10;
	s7 =	sor.u32 s7, s8;
	v3 =	vor.u32 v1, v3;
	v14 =	vand.u32 $0xFFFFF800, v14;
	v9 =	vand.u32 $0x380, v9  }
0x133: {  	s10 =	sor.u32 s10, s8;
	v63 =	vld [tilespmem:s7+$0x0];
	v9 =	vor.u32 v14, v9;
	v61 =	vshll.u32 v12, $0x8;
	v12 =	vshll.u32 v12, $0x7  }
0x134: {  	v62 =	vld [tilespmem:s10+$0x0];
	v7 =	vadd.f32 v10, v7;
	v17 =	vand.u32 $0xFFFFF800, v61;
	v12 =	vand.u32 $0x380, v12  }
0x135: {  	[tilespmem:v4+s4+$0x0] =	vst.idx.add.f32.msk $0xffff, v2;
	v9 =	vor.u32 v1, v9;
	v12 =	vor.u32 v17, v12  }
0x136: {  	v2 =	vmul.f32 v19, v5;
	v4 =	vadd.f32 v13, v7;
	v10 =	vor.u32 v1, v12  }
0x137: {  	v6 =	vmul.f32 v15, v6;
	v8 =	vadd.f32 v60, v8  }
0x138: {  	[tilespmem:v3+s4+$0x0] =	vst.idx.add.f32.msk $0xffff, v2;
	v2 =	vmul.f32 v63, v4  }
0x139: {  	[tilespmem:v11+s4+$0x0] =	vst.idx.add.f32.msk $0xffff, v6;
	v5 =	vmul.f32 v62, v8  }
0x13a: {  	[tilespmem:v9+s4+$0x0] =	vst.idx.add.f32.msk $0xffff, v2  }
0x13b: {  	[tilespmem:v10+s4+$0x0] =	vst.idx.add.f32.msk $0xffff, v5  }
0x13c: {  	s7 =	simm.s32 $0x0;
	s10 =	rddreg [dreg:$0xc]  }
0x13d: {  	[tilespmem:s7], [sflag:$0x1] =	stream.linear.gather [hbm4b:s10+s7], $0x8000, $0x38;
	[tilespmem:$0x19180] =	vst v63  }
0x13e: {  	s11 =	rddreg [dreg:$0x11]  }
0x13f: {  	[tilespmem:s0], [sflag:$0x1] =	stream.linear.gather [hbm4b:s11+s7], $0x4000, $0x38;
	[tilespmem:$0x19180] =	vst v63  }
0x140: {  	_ = 	snop  }
0x141: {  	[tilespmem:s25], [sflag:$0x1] =	stream.linear.gather [hbm4b:s22+s7], $0x80, $0x38;
	[tilespmem:$0x19180] =	vst v63  }
0x142: {  	_ =	swait.ge [sflag:s5], $0x8000  }
0x143: {  	[sflag:s5] =	ssyncset.done $0x0  }
0x144: {  	v2 =	vmov s7;
	[sflag:s5] =	ssyncadd.s32 $0xFFFF8000  }
0x145: {  	v2 =	vand.u32 $0xFFFFFFFE, v2;
	_ =	swait.ge [sflag:s5], $0x4000  }
0x146: {  	v2 =	vbroadcast v2, $0x0;
	[sflag:s5] =	ssyncset.done $0x0  }
0x147: {  	[sflag:s5] =	ssyncadd.s32 $0xFFFFC000  }
0x148: {  	s12 =	simm.s32 $0x1;
	_ =	swait.ge [sflag:s5], $0x80  }
0x149: {  	v3 =	vmov s12;
	[sflag:s5] =	ssyncset.done $0x0  }
0x14a: {  	s8 =	simm.s32 $0x14080;
	[sflag:s5] =	ssyncadd.s32 $0xFFFFFF80  }
0x14b: {  	v4 =	vld [tilespmem:s8+$0xFFFFFF80]  }
0x14c: {  	v2 =	vld.idx.msk [tilespmem:v2+s2+$0x0], $0xffff  }
0x14d: {  	s13 =	simm.s32 $0x2;
	v5 =	vld [tilespmem:s8+$0xFFFFFF90]  }
0x14e: {  	v8 =	vmov s13;
	v6 =	vld.idx.msk [tilespmem:v3+s2+$0x0], $0xffff  }
0x14f: {  	v8 =	vand.u32 $0xFFFFFFFE, v8;
	v3 =	vld [tilespmem:s8+$0xFFFFFFA0]  }
0x150: {  	v8 =	vbroadcast v8, $0x0;
	s11 =	simm.s32 $0x0;
	s7 =	sand.u32 $0x800, s7;
	v7 =	vld [tilespmem:s8+$0x0]  }
0x151: {  	s9 =	sand.u32 $0x300, s11;
	s7 =	sor.u32 $0x8000, s7;
	v10 =	vld [tilespmem:s8+$0xFFFFFFB0]  }
0x152: {  	s12 =	simm.s32 $0x80;
	s9 =	sor.u32 s9, s7;
	v11 =	vld [tilespmem:s8+$0x10]  }
0x153: {  	s13 =	sand.u32 $0x380, s12;
	v12 =	vld [tilespmem:s9+$0x0]  }
0x154: {  	s14 =	simm.s32 $0x3;
	s7 =	sor.u32 s13, s7;
	v13 =	vld [tilespmem:s8+$0x20];
	v4 =	vadd.f32 v5, v4;
	v5 =	vshll.u32 v2, $0x8;
	v2 =	vshll.u32 v2, $0x7  }
0x155: {  	v9 =	vmov s14;
	v14 =	vld [tilespmem:s7+$0x0];
	v5 =	vand.u32 $0xFFFFF800, v5;
	v2 =	vand.u32 $0x380, v2  }
0x156: {  	v15 =	vld.idx.msk [tilespmem:v8+s2+$0x0], $0xffff;
	v3 =	vadd.f32 v3, v4;
	v2 =	vor.u32 v5, v2  }
0x157: {  	s9 =	simm.s32 $0x14180;
	v4 =	vld [tilespmem:s8+$0x30];
	v2 =	vor.u32 v1, v2  }
0x158: {  	v8 =	vld [tilespmem:s9+$0x10];
	v7 =	vadd.f32 v11, v7;
	v5 =	vadd.f32 v10, v3  }
0x159: {  	v11 =	vld [tilespmem:s9+$0xFFFFFF90]  }
0x15a: {  	v7 =	vadd.f32 v13, v7;
	v3 =	vld.idx.msk [tilespmem:v9+s2+$0x0], $0xffff;
	v5 =	vmul.f32 v12, v5  }
0x15b: {  	v10 =	vld [tilespmem:s9+$0xFFFFFF80]  }
0x15c: {  	[tilespmem:v2+s4+$0x0] =	vst.idx.add.f32.msk $0xffff, v5;
	v2 =	vadd.f32 v4, v7;
	v4 =	vshll.u32 v6, $0x8;
	v7 =	vshll.u32 v6, $0x7  }
0x15d: {  	s12 =	simm.s32 $0x100;
	s14 =	simm.s32 $0x4;
	s7 =	simm.s32 $0x200;
	v6 =	vld [tilespmem:s9+$0xFFFFFFA0];
	v4 =	vand.u32 $0xFFFFF800, v4;
	v7 =	vand.u32 $0x380, v7  }
0x15e: {  	s11 =	simm.s32 $0x5;
	s8 =	simm.s32 $0x180;
	v13 =	vshll.u32 v15, $0x8;
	v9 =	vmov s14;
	s14 =	sand.u32 $0x800, s7;
	v5 =	vld [tilespmem:s9+$0x0];
	v4 =	vor.u32 v4, v7  }
0x15f: {  	s13 =	sand.u32 $0x380, s8;
	s14 =	sor.u32 $0x8000, s14;
	v12 =	vand.u32 $0xFFFFFFFE, v9;
	v9 =	vmov s11;
	s11 =	sand.u32 $0x300, s12;
	v7 =	vld [tilespmem:s9+$0xFFFFFFB0];
	v4 =	vor.u32 v1, v4  }
0x160: {  	s10 =	simm.s32 $0x6;
	s12 =	sor.u32 s11, s14;
	s11 =	sor.u32 s13, s14;
	v11 =	vadd.f32 v11, v10;
	v10 =	vld [tilespmem:s9+$0x20];
	v2 =	vmul.f32 v14, v2;
	v14 =	vshll.u32 v15, $0x7  }
.LBB2_10:
0x161: {  	p0 =	slt.u32 s10, $0xE;
	v12 =	vbroadcast v12, $0x0;
	v15 =	vld [tilespmem:s12+$0x0];
	v13 =	vand.u32 $0xFFFFF800, v13;
	v14 =	vand.u32 $0x380, v14  }
0x162: {  	v6 =	vadd.f32 v6, v11;
	v11 =	vor.u32 v13, v14;
	v13 =	vld [tilespmem:s9+$0x30]  }
0x163: {  	v11 =	vor.u32 v1, v11;
	v5 =	vadd.f32 v8, v5;
	v8 =	vld [tilespmem:s11+$0x0]  }
0x164: {  	v6 =	vadd.f32 v7, v6;
	[tilespmem:v4+s4+$0x0] =	vst.idx.add.f32.msk $0xffff, v2  }
0x165: {  	s9 =	sadd.s32 $0x100, s9;
	v4 =	vld.idx.msk [tilespmem:v9+s2+$0x0], $0xffff;
	v2 =	vadd.f32 v10, v5  }
0x166: {  	v10 =	vld [tilespmem:s9+$0xFFFFFF80];
	v5 =	vmul.f32 v15, v6  }
0x167: {  	v14 =	vld.idx.msk [tilespmem:v12+s2+$0x0], $0xffff;
	v2 =	vadd.f32 v13, v2  }
0x168: {  	[tilespmem:v11+s4+$0x0] =	vst.idx.add.f32.msk $0xffff, v5  }
0x169: {  	v11 =	vld [tilespmem:s9+$0xFFFFFF90];
	v2 =	vmul.f32 v8, v2  }
.Ltmp4:
0x16a: {  	v7 =	vshll.u32 v3, $0x8;
	v8 =	vshll.u32 v3, $0x7;
	v5 =	vld [tilespmem:s9+$0x0];
	(pc) =	sbr.rel @p0 .LBB2_10-.Ltmp4, $4  }
0x16b: {  	s8 =	sadd.s32 $0x100, s8;
	s7 =	sadd.s32 $0x200, s7;
	s11 =	sadd.s32 $0x1, s10;
	v7 =	vand.u32 $0xFFFFF800, v7;
	v9 =	vand.u32 $0x380, v8;
	v3 =	vmov v4;
	v6 =	vld [tilespmem:s9+$0xFFFFFFA0]  }
0x16c: {  	s12 =	sadd.s32 $0xFFFFFF80, s8;
	s13 =	sand.u32 $0x800, s7;
	s14 =	sand.u32 $0x380, s8;
	v4 =	vmov s10;
	v13 =	vor.u32 v7, v9;
	v8 =	vld [tilespmem:s9+$0x10]  }
0x16d: {  	s13 =	sor.u32 $0x8000, s13;
	v12 =	vand.u32 $0xFFFFFFFE, v4;
	v9 =	vmov s11;
	s11 =	sand.u32 $0x300, s12;
	v4 =	vor.u32 v1, v13;
	v7 =	vld [tilespmem:s9+$0xFFFFFFB0]  }
0x16e: {  	s10 =	sadd.s32 $0x2, s10;
	s12 =	sor.u32 s11, s13;
	v13 =	vshll.u32 v14, $0x8;
	v14 =	vshll.u32 v14, $0x7;
	s11 =	sor.u32 s14, s13;
	v11 =	vadd.f32 v11, v10;
	v10 =	vld [tilespmem:s9+$0x20]  }
0x16f: {  	_ =	sdelay $0x1  }
0x170: {  	v15 =	vld [tilespmem:s12+$0x0]  }
0x171: {  	v16 =	vld [tilespmem:s9+$0x30]  }
0x172: {  	v9 =	vld.idx.msk [tilespmem:v9+s2+$0x0], $0xffff;
	s12 =	sadd.s32 $0x100, s9  }
0x173: {  	v12 =	vbroadcast v12, $0x0;
	v17 =	vld [tilespmem:s12+$0xFFFFFF80]  }
0x174: {  	v13 =	vand.u32 $0xFFFFF800, v13;
	v14 =	vand.u32 $0x380, v14;
	v18 =	vld [tilespmem:s12+$0xFFFFFF90]  }
0x175: {  	v13 =	vor.u32 v13, v14;
	v14 =	vld [tilespmem:s12+$0x10]  }
0x176: {  	v5 =	vadd.f32 v8, v5;
	v8 =	vld [tilespmem:s12+$0x0]  }
0x177: {  	v6 =	vadd.f32 v6, v11;
	v11 =	vor.u32 v1, v13;
	v13 =	vld [tilespmem:s12+$0xFFFFFFA0]  }
0x178: {  	v5 =	vadd.f32 v10, v5;
	v10 =	vshll.u32 v3, $0x8;
	v3 =	vshll.u32 v3, $0x7  }
0x179: {  	v6 =	vadd.f32 v7, v6;
	v7 =	vand.u32 $0xFFFFF800, v10;
	v3 =	vand.u32 $0x380, v3;
	v12 =	vld.idx.msk [tilespmem:v12+s2+$0x0], $0xffff  }
0x17a: {  	s8 =	sadd.s32 $0x100, s8;
	s7 =	sadd.s32 $0x200, s7;
	v10 =	vld [tilespmem:s12+$0x20];
	v3 =	vor.u32 v7, v3;
	v7 =	vadd.f32 v18, v17  }
0x17b: {  	v19 =	vld [tilespmem:s11+$0x0];
	s10 =	sadd.s32 $0xFFFFFF80, s8;
	s7 =	sand.u32 $0x800, s7;
	v5 =	vadd.f32 v16, v5;
	v8 =	vadd.f32 v14, v8  }
0x17c: {  	s8 =	sand.u32 $0x380, s8;
	s10 =	sand.u32 $0x300, s10;
	s7 =	sor.u32 $0x8000, s7;
	v14 =	vshll.u32 v9, $0x8;
	v9 =	vshll.u32 v9, $0x7;
	v7 =	vadd.f32 v13, v7;
	v13 =	vld [tilespmem:s12+$0x30]  }
0x17d: {  	v60 =	vld [tilespmem:s12+$0xFFFFFFB0];
	s10 =	sor.u32 s10, s7;
	s7 =	sor.u32 s8, s7;
	v3 =	vor.u32 v1, v3;
	v14 =	vand.u32 $0xFFFFF800, v14;
	v9 =	vand.u32 $0x380, v9  }
0x17e: {  	v63 =	vld [tilespmem:s7+$0x0];
	v9 =	vor.u32 v14, v9;
	v61 =	vshll.u32 v12, $0x8;
	v12 =	vshll.u32 v12, $0x7  }
0x17f: {  	v62 =	vld [tilespmem:s10+$0x0];
	v8 =	vadd.f32 v10, v8;
	v17 =	vand.u32 $0xFFFFF800, v61;
	v12 =	vand.u32 $0x380, v12  }
0x180: {  	[tilespmem:v4+s4+$0x0] =	vst.idx.add.f32.msk $0xffff, v2;
	v9 =	vor.u32 v1, v9;
	v12 =	vor.u32 v17, v12  }
0x181: {  	v2 =	vmul.f32 v19, v5;
	v4 =	vadd.f32 v13, v8;
	v10 =	vor.u32 v1, v12  }
0x182: {  	v6 =	vmul.f32 v15, v6;
	v7 =	vadd.f32 v60, v7  }
0x183: {  	[tilespmem:v3+s4+$0x0] =	vst.idx.add.f32.msk $0xffff, v2;
	v2 =	vmul.f32 v63, v4  }
0x184: {  	[tilespmem:v11+s4+$0x0] =	vst.idx.add.f32.msk $0xffff, v6;
	v5 =	vmul.f32 v62, v7  }
0x185: {  	[tilespmem:v9+s4+$0x0] =	vst.idx.add.f32.msk $0xffff, v2  }
0x186: {  	[tilespmem:v10+s4+$0x0] =	vst.idx.add.f32.msk $0xffff, v5  }
0x187: {  	s7 =	simm.s32 $0x0;
	s13 =	rddreg [dreg:$0xd]  }
0x188: {  	[tilespmem:s31], [sflag:$0x2] =	stream.linear.gather [hbm4b:s13+s7], $0x8000, $0x38;
	[tilespmem:$0x19180] =	vst v63  }
0x189: {  	s14 =	rddreg [dreg:$0x12]  }
0x18a: {  	[tilespmem:s1], [sflag:$0x2] =	stream.linear.gather [hbm4b:s14+s7], $0x4000, $0x38;
	[tilespmem:$0x19180] =	vst v63  }
0x18b: {  	_ = 	snop  }
0x18c: {  	[tilespmem:s2], [sflag:$0x2] =	stream.linear.gather [hbm4b:s24+s7], $0x80, $0x38;
	[tilespmem:$0x19180] =	vst v63  }
0x18d: {  	_ =	swait.ge [sflag:s3], $0x8000  }
0x18e: {  	[sflag:s3] =	ssyncset.done $0x0  }
0x18f: {  	v2 =	vmov s7;
	[sflag:s3] =	ssyncadd.s32 $0xFFFF8000  }
0x190: {  	v2 =	vand.u32 $0xFFFFFFFE, v2;
	_ =	swait.ge [sflag:s3], $0x4000  }
0x191: {  	v2 =	vbroadcast v2, $0x0;
	[sflag:s3] =	ssyncset.done $0x0  }
0x192: {  	[sflag:s3] =	ssyncadd.s32 $0xFFFFC000  }
0x193: {  	s9 =	simm.s32 $0x1;
	_ =	swait.ge [sflag:s3], $0x80  }
0x194: {  	v3 =	vmov s9;
	[sflag:s3] =	ssyncset.done $0x0  }
0x195: {  	s8 =	simm.s32 $0x10080;
	[sflag:s3] =	ssyncadd.s32 $0xFFFFFF80  }
0x196: {  	v4 =	vld [tilespmem:s8+$0xFFFFFF80]  }
0x197: {  	v2 =	vld.idx.msk [tilespmem:v2+s25+$0x0], $0xffff  }
0x198: {  	s10 =	simm.s32 $0x2;
	v5 =	vld [tilespmem:s8+$0xFFFFFF90]  }
0x199: {  	v8 =	vmov s10;
	v6 =	vld.idx.msk [tilespmem:v3+s25+$0x0], $0xffff  }
0x19a: {  	v8 =	vand.u32 $0xFFFFFFFE, v8;
	v3 =	vld [tilespmem:s8+$0xFFFFFFA0]  }
0x19b: {  	s12 =	simm.s32 $0x0;
	v8 =	vbroadcast v8, $0x0;
	v7 =	vld [tilespmem:s8+$0x0]  }
0x19c: {  	s9 =	sand.u32 $0x300, s12;
	s7 =	sand.u32 $0x800, s7;
	v10 =	vld [tilespmem:s8+$0xFFFFFFB0]  }
0x19d: {  	s13 =	simm.s32 $0x80;
	s9 =	sor.u32 s9, s7;
	v11 =	vld [tilespmem:s8+$0x10]  }
0x19e: {  	s11 =	simm.s32 $0x3;
	s14 =	sand.u32 $0x380, s13;
	v12 =	vld [tilespmem:s9+$0x0];
	v4 =	vadd.f32 v5, v4;
	v5 =	vshll.u32 v2, $0x8;
	v2 =	vshll.u32 v2, $0x7  }
0x19f: {  	v9 =	vmov s11;
	s7 =	sor.u32 s14, s7;
	v13 =	vld [tilespmem:s8+$0x20];
	v5 =	vand.u32 $0xFFFFF800, v5;
	v2 =	vand.u32 $0x380, v2  }
0x1a0: {  	v14 =	vld [tilespmem:s7+$0x0];
	v3 =	vadd.f32 v3, v4;
	v2 =	vor.u32 v5, v2  }
0x1a1: {  	v15 =	vld.idx.msk [tilespmem:v8+s25+$0x0], $0xffff;
	v2 =	vor.u32 v1, v2  }
0x1a2: {  	s9 =	simm.s32 $0x10180;
	v4 =	vld [tilespmem:s8+$0x30];
	v5 =	vadd.f32 v10, v3  }
0x1a3: {  	v7 =	vadd.f32 v11, v7;
	v11 =	vld [tilespmem:s9+$0xFFFFFF90]  }
0x1a4: {  	v3 =	vld.idx.msk [tilespmem:v9+s25+$0x0], $0xffff;
	v5 =	vmul.f32 v12, v5  }
0x1a5: {  	v7 =	vadd.f32 v13, v7;
	v10 =	vld [tilespmem:s9+$0xFFFFFF80]  }
0x1a6: {  	[tilespmem:v2+s4+$0x0] =	vst.idx.add.f32.msk $0xffff, v5  }
0x1a7: {  	v2 =	vadd.f32 v4, v7;
	v5 =	vld [tilespmem:s9+$0x0];
	v4 =	vshll.u32 v6, $0x8;
	v7 =	vshll.u32 v6, $0x7  }
0x1a8: {  	s12 =	simm.s32 $0x100;
	s10 =	simm.s32 $0x4;
	v6 =	vld [tilespmem:s9+$0xFFFFFFA0];
	v4 =	vand.u32 $0xFFFFF800, v4;
	v8 =	vand.u32 $0x380, v7  }
0x1a9: {  	s11 =	simm.s32 $0x5;
	s7 =	simm.s32 $0x180;
	s8 =	simm.s32 $0x200;
	v13 =	vshll.u32 v15, $0x8;
	v9 =	vmov s10;
	v7 =	vld [tilespmem:s9+$0x10];
	v4 =	vor.u32 v4, v8  }
0x1aa: {  	s13 =	sand.u32 $0x380, s7;
	s14 =	sand.u32 $0x800, s8;
	v12 =	vand.u32 $0xFFFFFFFE, v9;
	v9 =	vmov s11;
	s11 =	sand.u32 $0x300, s12;
	v8 =	vld [tilespmem:s9+$0xFFFFFFB0];
	v4 =	vor.u32 v1, v4  }
0x1ab: {  	s10 =	simm.s32 $0x6;
	s12 =	sor.u32 s11, s14;
	s11 =	sor.u32 s13, s14;
	v11 =	vadd.f32 v11, v10;
	v10 =	vld [tilespmem:s9+$0x20];
	v2 =	vmul.f32 v14, v2;
	v14 =	vshll.u32 v15, $0x7  }
.LBB2_12:
0x1ac: {  	p0 =	slt.u32 s10, $0xE;
	v12 =	vbroadcast v12, $0x0;
	v15 =	vld [tilespmem:s12+$0x0];
	v13 =	vand.u32 $0xFFFFF800, v13;
	v14 =	vand.u32 $0x380, v14  }
0x1ad: {  	v6 =	vadd.f32 v6, v11;
	v11 =	vor.u32 v13, v14;
	v13 =	vld [tilespmem:s9+$0x30]  }
0x1ae: {  	v11 =	vor.u32 v1, v11;
	v5 =	vadd.f32 v7, v5;
	v7 =	vld [tilespmem:s11+$0x0]  }
0x1af: {  	v6 =	vadd.f32 v8, v6;
	[tilespmem:v4+s4+$0x0] =	vst.idx.add.f32.msk $0xffff, v2  }
0x1b0: {  	s9 =	sadd.s32 $0x100, s9;
	v4 =	vld.idx.msk [tilespmem:v9+s25+$0x0], $0xffff;
	v2 =	vadd.f32 v10, v5  }
0x1b1: {  	v10 =	vld [tilespmem:s9+$0xFFFFFF80];
	v5 =	vmul.f32 v15, v6  }
0x1b2: {  	v14 =	vld.idx.msk [tilespmem:v12+s25+$0x0], $0xffff;
	v2 =	vadd.f32 v13, v2  }
0x1b3: {  	[tilespmem:v11+s4+$0x0] =	vst.idx.add.f32.msk $0xffff, v5  }
0x1b4: {  	v11 =	vld [tilespmem:s9+$0xFFFFFF90];
	v2 =	vmul.f32 v7, v2  }
.Ltmp5:
0x1b5: {  	v12 =	vshll.u32 v3, $0x7;
	v7 =	vshll.u32 v3, $0x8;
	v5 =	vld [tilespmem:s9+$0x0];
	(pc) =	sbr.rel @p0 .LBB2_12-.Ltmp5, $4  }
0x1b6: {  	s7 =	sadd.s32 $0x100, s7;
	s11 =	sadd.s32 $0x1, s10;
	v9 =	vand.u32 $0x380, v12;
	v8 =	vand.u32 $0xFFFFF800, v7;
	v3 =	vmov v4;
	v6 =	vld [tilespmem:s9+$0xFFFFFFA0]  }
0x1b7: {  	s8 =	sadd.s32 $0x200, s8;
	s12 =	sadd.s32 $0xFFFFFF80, s7;
	s13 =	sand.u32 $0x380, s7;
	v4 =	vmov s10;
	v13 =	vor.u32 v8, v9;
	v7 =	vld [tilespmem:s9+$0x10]  }
0x1b8: {  	s12 =	sand.u32 $0x300, s12;
	v12 =	vand.u32 $0xFFFFFFFE, v4;
	v9 =	vmov s11;
	s11 =	sand.u32 $0x800, s8;
	v4 =	vor.u32 v1, v13;
	v8 =	vld [tilespmem:s9+$0xFFFFFFB0]  }
0x1b9: {  	s10 =	sadd.s32 $0x2, s10;
	s12 =	sor.u32 s12, s11;
	v13 =	vshll.u32 v14, $0x8;
	v14 =	vshll.u32 v14, $0x7;
	s11 =	sor.u32 s13, s11;
	v11 =	vadd.f32 v11, v10;
	v10 =	vld [tilespmem:s9+$0x20]  }
0x1ba: {  	_ =	sdelay $0x2  }
0x1bb: {  	v16 =	vld [tilespmem:s9+$0x30]  }
0x1bc: {  	v9 =	vld.idx.msk [tilespmem:v9+s25+$0x0], $0xffff;
	s14 =	sadd.s32 $0x100, s9  }
0x1bd: {  	v12 =	vbroadcast v12, $0x0;
	v17 =	vld [tilespmem:s14+$0xFFFFFF80]  }
0x1be: {  	v13 =	vand.u32 $0xFFFFF800, v13;
	v14 =	vand.u32 $0x380, v14;
	v18 =	vld [tilespmem:s14+$0xFFFFFF90]  }
0x1bf: {  	v13 =	vor.u32 v13, v14;
	v14 =	vld [tilespmem:s14+$0x10]  }
0x1c0: {  	v5 =	vadd.f32 v7, v5;
	v7 =	vld [tilespmem:s14+$0x0]  }
0x1c1: {  	v6 =	vadd.f32 v6, v11;
	v11 =	vor.u32 v1, v13;
	v13 =	vld [tilespmem:s14+$0xFFFFFFA0]  }
0x1c2: {  	v15 =	vld [tilespmem:s12+$0x0];
	v5 =	vadd.f32 v10, v5;
	v10 =	vshll.u32 v3, $0x8;
	v3 =	vshll.u32 v3, $0x7  }
0x1c3: {  	v6 =	vadd.f32 v8, v6;
	v8 =	vand.u32 $0xFFFFF800, v10;
	v3 =	vand.u32 $0x380, v3;
	v12 =	vld.idx.msk [tilespmem:v12+s25+$0x0], $0xffff  }
0x1c4: {  	v10 =	vld [tilespmem:s14+$0x20];
	v3 =	vor.u32 v8, v3;
	v8 =	vadd.f32 v18, v17  }
0x1c5: {  	v19 =	vld [tilespmem:s11+$0x0];
	s7 =	sadd.s32 $0x100, s7;
	s8 =	sadd.s32 $0x200, s8;
	v5 =	vadd.f32 v16, v5;
	v7 =	vadd.f32 v14, v7  }
0x1c6: {  	s10 =	sadd.s32 $0xFFFFFF80, s7;
	s8 =	sand.u32 $0x800, s8;
	s7 =	sand.u32 $0x380, s7;
	v14 =	vshll.u32 v9, $0x8;
	v9 =	vshll.u32 v9, $0x7;
	v8 =	vadd.f32 v13, v8;
	v13 =	vld [tilespmem:s14+$0x30]  }
0x1c7: {  	v60 =	vld [tilespmem:s14+$0xFFFFFFB0];
	s10 =	sand.u32 $0x300, s10;
	s7 =	sor.u32 s7, s8;
	v3 =	vor.u32 v1, v3;
	v14 =	vand.u32 $0xFFFFF800, v14;
	v9 =	vand.u32 $0x380, v9  }
0x1c8: {  	s10 =	sor.u32 s10, s8;
	v63 =	vld [tilespmem:s7+$0x0];
	v9 =	vor.u32 v14, v9;
	v61 =	vshll.u32 v12, $0x8;
	v12 =	vshll.u32 v12, $0x7  }
0x1c9: {  	v62 =	vld [tilespmem:s10+$0x0];
	v7 =	vadd.f32 v10, v7;
	v17 =	vand.u32 $0xFFFFF800, v61;
	v12 =	vand.u32 $0x380, v12  }
0x1ca: {  	[tilespmem:v4+s4+$0x0] =	vst.idx.add.f32.msk $0xffff, v2;
	v9 =	vor.u32 v1, v9;
	v12 =	vor.u32 v17, v12  }
0x1cb: {  	v2 =	vmul.f32 v19, v5;
	v4 =	vadd.f32 v13, v7;
	v10 =	vor.u32 v1, v12  }
0x1cc: {  	v6 =	vmul.f32 v15, v6;
	v8 =	vadd.f32 v60, v8  }
0x1cd: {  	[tilespmem:v3+s4+$0x0] =	vst.idx.add.f32.msk $0xffff, v2;
	v2 =	vmul.f32 v63, v4  }
0x1ce: {  	[tilespmem:v11+s4+$0x0] =	vst.idx.add.f32.msk $0xffff, v6;
	v5 =	vmul.f32 v62, v8  }
0x1cf: {  	[tilespmem:v9+s4+$0x0] =	vst.idx.add.f32.msk $0xffff, v2  }
0x1d0: {  	[tilespmem:v10+s4+$0x0] =	vst.idx.add.f32.msk $0xffff, v5  }
0x1d1: {  	s10 =	simm.s32 $0x0;
	s11 =	rddreg [dreg:$0xe]  }
0x1d2: {  	[tilespmem:s10], [sflag:$0x1] =	stream.linear.gather [hbm4b:s11+s10], $0x8000, $0x38;
	[tilespmem:$0x19180] =	vst v63  }
0x1d3: {  	_ = 	snop  }
0x1d4: {  	[tilespmem:s0], [sflag:$0x1] =	stream.linear.gather [hbm4b:s16+s10], $0x4000, $0x38;
	[tilespmem:$0x19180] =	vst v63  }
0x1d5: {  	_ = 	snop  }
0x1d6: {  	[tilespmem:s25], [sflag:$0x1] =	stream.linear.gather [hbm4b:s26+s10], $0x80, $0x38;
	[tilespmem:$0x19180] =	vst v63  }
0x1d7: {  	_ =	swait.ge [sflag:s5], $0x8000  }
0x1d8: {  	[sflag:s5] =	ssyncset.done $0x0  }
0x1d9: {  	v2 =	vmov s10;
	[sflag:s5] =	ssyncadd.s32 $0xFFFF8000  }
0x1da: {  	v2 =	vand.u32 $0xFFFFFFFE, v2;
	_ =	swait.ge [sflag:s5], $0x4000  }
0x1db: {  	v2 =	vbroadcast v2, $0x0;
	[sflag:s5] =	ssyncset.done $0x0  }
0x1dc: {  	[sflag:s5] =	ssyncadd.s32 $0xFFFFC000  }
0x1dd: {  	s12 =	simm.s32 $0x1;
	_ =	swait.ge [sflag:s5], $0x80  }
0x1de: {  	v3 =	vmov s12;
	[sflag:s5] =	ssyncset.done $0x0  }
0x1df: {  	s8 =	simm.s32 $0x14080;
	[sflag:s5] =	ssyncadd.s32 $0xFFFFFF80  }
0x1e0: {  	v4 =	vld [tilespmem:s8+$0xFFFFFF80]  }
0x1e1: {  	v2 =	vld.idx.msk [tilespmem:v2+s2+$0x0], $0xffff  }
0x1e2: {  	s13 =	simm.s32 $0x2;
	v5 =	vld [tilespmem:s8+$0xFFFFFF90]  }
0x1e3: {  	v8 =	vmov s13;
	v6 =	vld.idx.msk [tilespmem:v3+s2+$0x0], $0xffff  }
0x1e4: {  	v8 =	vand.u32 $0xFFFFFFFE, v8;
	v3 =	vld [tilespmem:s8+$0xFFFFFFA0]  }
0x1e5: {  	s7 =	sand.u32 $0x800, s10;
	v8 =	vbroadcast v8, $0x0;
	s11 =	simm.s32 $0x0;
	v7 =	vld [tilespmem:s8+$0x0]  }
0x1e6: {  	s7 =	sor.u32 $0x8000, s7;
	s9 =	sand.u32 $0x300, s11;
	v10 =	vld [tilespmem:s8+$0xFFFFFFB0]  }
0x1e7: {  	s12 =	simm.s32 $0x80;
	s9 =	sor.u32 s9, s7;
	v11 =	vld [tilespmem:s8+$0x10]  }
0x1e8: {  	s13 =	sand.u32 $0x380, s12;
	v12 =	vld [tilespmem:s9+$0x0]  }
0x1e9: {  	s14 =	simm.s32 $0x3;
	s7 =	sor.u32 s13, s7;
	v13 =	vld [tilespmem:s8+$0x20];
	v4 =	vadd.f32 v5, v4;
	v5 =	vshll.u32 v2, $0x8;
	v2 =	vshll.u32 v2, $0x7  }
0x1ea: {  	v9 =	vmov s14;
	v14 =	vld [tilespmem:s7+$0x0];
	v5 =	vand.u32 $0xFFFFF800, v5;
	v2 =	vand.u32 $0x380, v2  }
0x1eb: {  	v15 =	vld.idx.msk [tilespmem:v8+s2+$0x0], $0xffff;
	v3 =	vadd.f32 v3, v4;
	v2 =	vor.u32 v5, v2  }
0x1ec: {  	s9 =	simm.s32 $0x14180;
	v4 =	vld [tilespmem:s8+$0x30];
	v2 =	vor.u32 v1, v2  }
0x1ed: {  	v8 =	vld [tilespmem:s9+$0x10];
	v7 =	vadd.f32 v11, v7;
	v5 =	vadd.f32 v10, v3  }
0x1ee: {  	v11 =	vld [tilespmem:s9+$0xFFFFFF90]  }
0x1ef: {  	v7 =	vadd.f32 v13, v7;
	v3 =	vld.idx.msk [tilespmem:v9+s2+$0x0], $0xffff;
	v5 =	vmul.f32 v12, v5  }
0x1f0: {  	v10 =	vld [tilespmem:s9+$0xFFFFFF80]  }
0x1f1: {  	[tilespmem:v2+s4+$0x0] =	vst.idx.add.f32.msk $0xffff, v5;
	v2 =	vadd.f32 v4, v7;
	v4 =	vshll.u32 v6, $0x8;
	v7 =	vshll.u32 v6, $0x7  }
0x1f2: {  	s12 =	simm.s32 $0x100;
	s14 =	simm.s32 $0x4;
	s7 =	simm.s32 $0x200;
	v6 =	vld [tilespmem:s9+$0xFFFFFFA0];
	v4 =	vand.u32 $0xFFFFF800, v4;
	v7 =	vand.u32 $0x380, v7  }
0x1f3: {  	s11 =	simm.s32 $0x5;
	s8 =	simm.s32 $0x180;
	v13 =	vshll.u32 v15, $0x8;
	v9 =	vmov s14;
	s14 =	sand.u32 $0x800, s7;
	v5 =	vld [tilespmem:s9+$0x0];
	v4 =	vor.u32 v4, v7  }
0x1f4: {  	s13 =	sand.u32 $0x380, s8;
	s14 =	sor.u32 $0x8000, s14;
	v12 =	vand.u32 $0xFFFFFFFE, v9;
	v9 =	vmov s11;
	s11 =	sand.u32 $0x300, s12;
	v7 =	vld [tilespmem:s9+$0xFFFFFFB0];
	v4 =	vor.u32 v1, v4  }
0x1f5: {  	s10 =	simm.s32 $0x6;
	s12 =	sor.u32 s11, s14;
	s11 =	sor.u32 s13, s14;
	v11 =	vadd.f32 v11, v10;
	v10 =	vld [tilespmem:s9+$0x20];
	v2 =	vmul.f32 v14, v2;
	v14 =	vshll.u32 v15, $0x7  }
.LBB2_14:
0x1f6: {  	p0 =	slt.u32 s10, $0xE;
	v12 =	vbroadcast v12, $0x0;
	v15 =	vld [tilespmem:s12+$0x0];
	v13 =	vand.u32 $0xFFFFF800, v13;
	v14 =	vand.u32 $0x380, v14  }
0x1f7: {  	v6 =	vadd.f32 v6, v11;
	v11 =	vor.u32 v13, v14;
	v13 =	vld [tilespmem:s9+$0x30]  }
0x1f8: {  	v11 =	vor.u32 v1, v11;
	v5 =	vadd.f32 v8, v5;
	v8 =	vld [tilespmem:s11+$0x0]  }
0x1f9: {  	v6 =	vadd.f32 v7, v6;
	[tilespmem:v4+s4+$0x0] =	vst.idx.add.f32.msk $0xffff, v2  }
0x1fa: {  	s9 =	sadd.s32 $0x100, s9;
	v4 =	vld.idx.msk [tilespmem:v9+s2+$0x0], $0xffff;
	v2 =	vadd.f32 v10, v5  }
0x1fb: {  	v10 =	vld [tilespmem:s9+$0xFFFFFF80];
	v5 =	vmul.f32 v15, v6  }
0x1fc: {  	v14 =	vld.idx.msk [tilespmem:v12+s2+$0x0], $0xffff;
	v2 =	vadd.f32 v13, v2  }
0x1fd: {  	[tilespmem:v11+s4+$0x0] =	vst.idx.add.f32.msk $0xffff, v5  }
0x1fe: {  	v11 =	vld [tilespmem:s9+$0xFFFFFF90];
	v2 =	vmul.f32 v8, v2  }
.Ltmp6:
0x1ff: {  	v7 =	vshll.u32 v3, $0x8;
	v8 =	vshll.u32 v3, $0x7;
	v5 =	vld [tilespmem:s9+$0x0];
	(pc) =	sbr.rel @p0 .LBB2_14-.Ltmp6, $4  }
0x200: {  	s8 =	sadd.s32 $0x100, s8;
	s7 =	sadd.s32 $0x200, s7;
	s11 =	sadd.s32 $0x1, s10;
	v7 =	vand.u32 $0xFFFFF800, v7;
	v9 =	vand.u32 $0x380, v8;
	v3 =	vmov v4;
	v6 =	vld [tilespmem:s9+$0xFFFFFFA0]  }
0x201: {  	s12 =	sadd.s32 $0xFFFFFF80, s8;
	s13 =	sand.u32 $0x800, s7;
	s14 =	sand.u32 $0x380, s8;
	v4 =	vmov s10;
	v13 =	vor.u32 v7, v9;
	v8 =	vld [tilespmem:s9+$0x10]  }
0x202: {  	s13 =	sor.u32 $0x8000, s13;
	v12 =	vand.u32 $0xFFFFFFFE, v4;
	v9 =	vmov s11;
	s11 =	sand.u32 $0x300, s12;
	v4 =	vor.u32 v1, v13;
	v7 =	vld [tilespmem:s9+$0xFFFFFFB0]  }
0x203: {  	s10 =	sadd.s32 $0x2, s10;
	s12 =	sor.u32 s11, s13;
	v13 =	vshll.u32 v14, $0x8;
	v14 =	vshll.u32 v14, $0x7;
	s11 =	sor.u32 s14, s13;
	v11 =	vadd.f32 v11, v10;
	v10 =	vld [tilespmem:s9+$0x20]  }
0x204: {  	_ =	sdelay $0x1  }
0x205: {  	v15 =	vld [tilespmem:s12+$0x0]  }
0x206: {  	v16 =	vld [tilespmem:s9+$0x30]  }
0x207: {  	v9 =	vld.idx.msk [tilespmem:v9+s2+$0x0], $0xffff;
	s12 =	sadd.s32 $0x100, s9  }
0x208: {  	v12 =	vbroadcast v12, $0x0;
	v17 =	vld [tilespmem:s12+$0xFFFFFF80]  }
0x209: {  	v13 =	vand.u32 $0xFFFFF800, v13;
	v14 =	vand.u32 $0x380, v14;
	v18 =	vld [tilespmem:s12+$0xFFFFFF90]  }
0x20a: {  	v13 =	vor.u32 v13, v14;
	v14 =	vld [tilespmem:s12+$0x10]  }
0x20b: {  	v5 =	vadd.f32 v8, v5;
	v8 =	vld [tilespmem:s12+$0x0]  }
0x20c: {  	v6 =	vadd.f32 v6, v11;
	v11 =	vor.u32 v1, v13;
	v13 =	vld [tilespmem:s12+$0xFFFFFFA0]  }
0x20d: {  	v5 =	vadd.f32 v10, v5;
	v10 =	vshll.u32 v3, $0x8;
	v3 =	vshll.u32 v3, $0x7  }
0x20e: {  	v6 =	vadd.f32 v7, v6;
	v7 =	vand.u32 $0xFFFFF800, v10;
	v3 =	vand.u32 $0x380, v3;
	v12 =	vld.idx.msk [tilespmem:v12+s2+$0x0], $0xffff  }
0x20f: {  	s8 =	sadd.s32 $0x100, s8;
	s7 =	sadd.s32 $0x200, s7;
	v10 =	vld [tilespmem:s12+$0x20];
	v3 =	vor.u32 v7, v3;
	v7 =	vadd.f32 v18, v17  }
0x210: {  	v19 =	vld [tilespmem:s11+$0x0];
	s10 =	sadd.s32 $0xFFFFFF80, s8;
	s7 =	sand.u32 $0x800, s7;
	v5 =	vadd.f32 v16, v5;
	v8 =	vadd.f32 v14, v8  }
0x211: {  	s8 =	sand.u32 $0x380, s8;
	s10 =	sand.u32 $0x300, s10;
	s7 =	sor.u32 $0x8000, s7;
	v14 =	vshll.u32 v9, $0x8;
	v9 =	vshll.u32 v9, $0x7;
	v7 =	vadd.f32 v13, v7;
	v13 =	vld [tilespmem:s12+$0x30]  }
0x212: {  	v60 =	vld [tilespmem:s12+$0xFFFFFFB0];
	s10 =	sor.u32 s10, s7;
	s7 =	sor.u32 s8, s7;
	v3 =	vor.u32 v1, v3;
	v14 =	vand.u32 $0xFFFFF800, v14;
	v9 =	vand.u32 $0x380, v9  }
0x213: {  	v63 =	vld [tilespmem:s7+$0x0];
	v9 =	vor.u32 v14, v9;
	v61 =	vshll.u32 v12, $0x8;
	v12 =	vshll.u32 v12, $0x7  }
0x214: {  	v62 =	vld [tilespmem:s10+$0x0];
	v8 =	vadd.f32 v10, v8;
	v17 =	vand.u32 $0xFFFFF800, v61;
	v12 =	vand.u32 $0x380, v12  }
0x215: {  	[tilespmem:v4+s4+$0x0] =	vst.idx.add.f32.msk $0xffff, v2;
	v9 =	vor.u32 v1, v9;
	v12 =	vor.u32 v17, v12  }
0x216: {  	v2 =	vmul.f32 v19, v5;
	v4 =	vadd.f32 v13, v8;
	v10 =	vor.u32 v1, v12  }
0x217: {  	v6 =	vmul.f32 v15, v6;
	v7 =	vadd.f32 v60, v7  }
0x218: {  	[tilespmem:v3+s4+$0x0] =	vst.idx.add.f32.msk $0xffff, v2;
	v2 =	vmul.f32 v63, v4  }
0x219: {  	[tilespmem:v11+s4+$0x0] =	vst.idx.add.f32.msk $0xffff, v6;
	v5 =	vmul.f32 v62, v7  }
0x21a: {  	[tilespmem:v9+s4+$0x0] =	vst.idx.add.f32.msk $0xffff, v2  }
0x21b: {  	[tilespmem:v10+s4+$0x0] =	vst.idx.add.f32.msk $0xffff, v5  }
0x21c: {  	s13 =	simm.s32 $0x0;
	s14 =	rddreg [dreg:$0xf]  }
0x21d: {  	[tilespmem:s31], [sflag:$0x2] =	stream.linear.gather [hbm4b:s14+s13], $0x8000, $0x38;
	[tilespmem:$0x19180] =	vst v63  }
0x21e: {  	_ = 	snop  }
0x21f: {  	[tilespmem:s1], [sflag:$0x2] =	stream.linear.gather [hbm4b:s17+s13], $0x4000, $0x38;
	[tilespmem:$0x19180] =	vst v63  }
0x220: {  	_ = 	snop  }
0x221: {  	[tilespmem:s2], [sflag:$0x2] =	stream.linear.gather [hbm4b:s28+s13], $0x80, $0x38;
	[tilespmem:$0x19180] =	vst v63  }
0x222: {  	_ =	swait.ge [sflag:s3], $0x8000  }
0x223: {  	[sflag:s3] =	ssyncset.done $0x0  }
0x224: {  	v2 =	vmov s13;
	[sflag:s3] =	ssyncadd.s32 $0xFFFF8000  }
0x225: {  	v2 =	vand.u32 $0xFFFFFFFE, v2;
	_ =	swait.ge [sflag:s3], $0x4000  }
0x226: {  	v2 =	vbroadcast v2, $0x0;
	[sflag:s3] =	ssyncset.done $0x0  }
0x227: {  	[sflag:s3] =	ssyncadd.s32 $0xFFFFC000  }
0x228: {  	s9 =	simm.s32 $0x1;
	_ =	swait.ge [sflag:s3], $0x80  }
0x229: {  	v3 =	vmov s9;
	[sflag:s3] =	ssyncset.done $0x0  }
0x22a: {  	s8 =	simm.s32 $0x10080;
	[sflag:s3] =	ssyncadd.s32 $0xFFFFFF80  }
0x22b: {  	v4 =	vld [tilespmem:s8+$0xFFFFFF80]  }
0x22c: {  	v2 =	vld.idx.msk [tilespmem:v2+s25+$0x0], $0xffff  }
0x22d: {  	s10 =	simm.s32 $0x2;
	v5 =	vld [tilespmem:s8+$0xFFFFFF90]  }
0x22e: {  	v8 =	vmov s10;
	v6 =	vld.idx.msk [tilespmem:v3+s25+$0x0], $0xffff  }
0x22f: {  	v8 =	vand.u32 $0xFFFFFFFE, v8;
	v3 =	vld [tilespmem:s8+$0xFFFFFFA0]  }
0x230: {  	s12 =	simm.s32 $0x0;
	v8 =	vbroadcast v8, $0x0;
	v7 =	vld [tilespmem:s8+$0x0]  }
0x231: {  	s7 =	sand.u32 $0x800, s13;
	s9 =	sand.u32 $0x300, s12;
	v10 =	vld [tilespmem:s8+$0xFFFFFFB0]  }
0x232: {  	s9 =	sor.u32 s9, s7;
	s13 =	simm.s32 $0x80;
	v11 =	vld [tilespmem:s8+$0x10]  }
0x233: {  	s11 =	simm.s32 $0x3;
	s14 =	sand.u32 $0x380, s13;
	v12 =	vld [tilespmem:s9+$0x0];
	v4 =	vadd.f32 v5, v4;
	v5 =	vshll.u32 v2, $0x8;
	v2 =	vshll.u32 v2, $0x7  }
0x234: {  	v9 =	vmov s11;
	s7 =	sor.u32 s14, s7;
	v13 =	vld [tilespmem:s8+$0x20];
	v5 =	vand.u32 $0xFFFFF800, v5;
	v2 =	vand.u32 $0x380, v2  }
0x235: {  	v14 =	vld [tilespmem:s7+$0x0];
	v3 =	vadd.f32 v3, v4;
	v2 =	vor.u32 v5, v2  }
0x236: {  	v15 =	vld.idx.msk [tilespmem:v8+s25+$0x0], $0xffff;
	v2 =	vor.u32 v1, v2  }
0x237: {  	s9 =	simm.s32 $0x10180;
	v4 =	vld [tilespmem:s8+$0x30];
	v5 =	vadd.f32 v10, v3  }
0x238: {  	v7 =	vadd.f32 v11, v7;
	v11 =	vld [tilespmem:s9+$0xFFFFFF90]  }
0x239: {  	v3 =	vld.idx.msk [tilespmem:v9+s25+$0x0], $0xffff;
	v5 =	vmul.f32 v12, v5  }
0x23a: {  	v7 =	vadd.f32 v13, v7;
	v10 =	vld [tilespmem:s9+$0xFFFFFF80]  }
0x23b: {  	[tilespmem:v2+s4+$0x0] =	vst.idx.add.f32.msk $0xffff, v5  }
0x23c: {  	v2 =	vadd.f32 v4, v7;
	v5 =	vld [tilespmem:s9+$0x0];
	v4 =	vshll.u32 v6, $0x8;
	v7 =	vshll.u32 v6, $0x7  }
0x23d: {  	s12 =	simm.s32 $0x100;
	s10 =	simm.s32 $0x4;
	v6 =	vld [tilespmem:s9+$0xFFFFFFA0];
	v4 =	vand.u32 $0xFFFFF800, v4;
	v8 =	vand.u32 $0x380, v7  }
0x23e: {  	s11 =	simm.s32 $0x5;
	s7 =	simm.s32 $0x180;
	s8 =	simm.s32 $0x200;
	v13 =	vshll.u32 v15, $0x8;
	v9 =	vmov s10;
	v7 =	vld [tilespmem:s9+$0x10];
	v4 =	vor.u32 v4, v8  }
0x23f: {  	s13 =	sand.u32 $0x380, s7;
	s14 =	sand.u32 $0x800, s8;
	v12 =	vand.u32 $0xFFFFFFFE, v9;
	v9 =	vmov s11;
	s11 =	sand.u32 $0x300, s12;
	v8 =	vld [tilespmem:s9+$0xFFFFFFB0];
	v4 =	vor.u32 v1, v4  }
0x240: {  	s10 =	simm.s32 $0x6;
	s12 =	sor.u32 s11, s14;
	s11 =	sor.u32 s13, s14;
	v11 =	vadd.f32 v11, v10;
	v10 =	vld [tilespmem:s9+$0x20];
	v2 =	vmul.f32 v14, v2;
	v14 =	vshll.u32 v15, $0x7  }
.LBB2_16:
0x241: {  	p0 =	slt.u32 s10, $0xE;
	v12 =	vbroadcast v12, $0x0;
	v15 =	vld [tilespmem:s12+$0x0];
	v13 =	vand.u32 $0xFFFFF800, v13;
	v14 =	vand.u32 $0x380, v14  }
0x242: {  	v6 =	vadd.f32 v6, v11;
	v11 =	vor.u32 v13, v14;
	v13 =	vld [tilespmem:s9+$0x30]  }
0x243: {  	v11 =	vor.u32 v1, v11;
	v5 =	vadd.f32 v7, v5;
	v7 =	vld [tilespmem:s11+$0x0]  }
0x244: {  	v6 =	vadd.f32 v8, v6;
	[tilespmem:v4+s4+$0x0] =	vst.idx.add.f32.msk $0xffff, v2  }
0x245: {  	s9 =	sadd.s32 $0x100, s9;
	v4 =	vld.idx.msk [tilespmem:v9+s25+$0x0], $0xffff;
	v2 =	vadd.f32 v10, v5  }
0x246: {  	v10 =	vld [tilespmem:s9+$0xFFFFFF80];
	v5 =	vmul.f32 v15, v6  }
0x247: {  	v14 =	vld.idx.msk [tilespmem:v12+s25+$0x0], $0xffff;
	v2 =	vadd.f32 v13, v2  }
0x248: {  	[tilespmem:v11+s4+$0x0] =	vst.idx.add.f32.msk $0xffff, v5  }
0x249: {  	v11 =	vld [tilespmem:s9+$0xFFFFFF90];
	v2 =	vmul.f32 v7, v2  }
.Ltmp7:
0x24a: {  	v12 =	vshll.u32 v3, $0x7;
	v7 =	vshll.u32 v3, $0x8;
	v5 =	vld [tilespmem:s9+$0x0];
	(pc) =	sbr.rel @p0 .LBB2_16-.Ltmp7, $4  }
0x24b: {  	s7 =	sadd.s32 $0x100, s7;
	s11 =	sadd.s32 $0x1, s10;
	v9 =	vand.u32 $0x380, v12;
	v8 =	vand.u32 $0xFFFFF800, v7;
	v3 =	vmov v4;
	v6 =	vld [tilespmem:s9+$0xFFFFFFA0]  }
0x24c: {  	s8 =	sadd.s32 $0x200, s8;
	s12 =	sadd.s32 $0xFFFFFF80, s7;
	s13 =	sand.u32 $0x380, s7;
	v4 =	vmov s10;
	v13 =	vor.u32 v8, v9;
	v7 =	vld [tilespmem:s9+$0x10]  }
0x24d: {  	s12 =	sand.u32 $0x300, s12;
	v12 =	vand.u32 $0xFFFFFFFE, v4;
	v9 =	vmov s11;
	s11 =	sand.u32 $0x800, s8;
	v4 =	vor.u32 v1, v13;
	v8 =	vld [tilespmem:s9+$0xFFFFFFB0]  }
0x24e: {  	s10 =	sadd.s32 $0x2, s10;
	s12 =	sor.u32 s12, s11;
	v13 =	vshll.u32 v14, $0x8;
	v14 =	vshll.u32 v14, $0x7;
	s11 =	sor.u32 s13, s11;
	v11 =	vadd.f32 v11, v10;
	v10 =	vld [tilespmem:s9+$0x20]  }
0x24f: {  	_ =	sdelay $0x2  }
0x250: {  	v16 =	vld [tilespmem:s9+$0x30]  }
0x251: {  	v9 =	vld.idx.msk [tilespmem:v9+s25+$0x0], $0xffff;
	s14 =	sadd.s32 $0x100, s9  }
0x252: {  	v12 =	vbroadcast v12, $0x0;
	v17 =	vld [tilespmem:s14+$0xFFFFFF80]  }
0x253: {  	v13 =	vand.u32 $0xFFFFF800, v13;
	v14 =	vand.u32 $0x380, v14;
	v18 =	vld [tilespmem:s14+$0xFFFFFF90]  }
0x254: {  	v13 =	vor.u32 v13, v14;
	v14 =	vld [tilespmem:s14+$0x10]  }
0x255: {  	v5 =	vadd.f32 v7, v5;
	v7 =	vld [tilespmem:s14+$0x0]  }
0x256: {  	v6 =	vadd.f32 v6, v11;
	v11 =	vor.u32 v1, v13;
	v13 =	vld [tilespmem:s14+$0xFFFFFFA0]  }
0x257: {  	v15 =	vld [tilespmem:s12+$0x0];
	v5 =	vadd.f32 v10, v5;
	v10 =	vshll.u32 v3, $0x8;
	v3 =	vshll.u32 v3, $0x7  }
0x258: {  	v6 =	vadd.f32 v8, v6;
	v8 =	vand.u32 $0xFFFFF800, v10;
	v3 =	vand.u32 $0x380, v3;
	v12 =	vld.idx.msk [tilespmem:v12+s25+$0x0], $0xffff  }
0x259: {  	v10 =	vld [tilespmem:s14+$0x20];
	v3 =	vor.u32 v8, v3;
	v8 =	vadd.f32 v18, v17  }
0x25a: {  	v19 =	vld [tilespmem:s11+$0x0];
	s7 =	sadd.s32 $0x100, s7;
	s8 =	sadd.s32 $0x200, s8;
	v5 =	vadd.f32 v16, v5;
	v7 =	vadd.f32 v14, v7  }
0x25b: {  	s10 =	sadd.s32 $0xFFFFFF80, s7;
	s8 =	sand.u32 $0x800, s8;
	s7 =	sand.u32 $0x380, s7;
	v14 =	vshll.u32 v9, $0x8;
	v9 =	vshll.u32 v9, $0x7;
	v8 =	vadd.f32 v13, v8;
	v13 =	vld [tilespmem:s14+$0x30]  }
0x25c: {  	v60 =	vld [tilespmem:s14+$0xFFFFFFB0];
	s10 =	sand.u32 $0x300, s10;
	s7 =	sor.u32 s7, s8;
	v3 =	vor.u32 v1, v3;
	v14 =	vand.u32 $0xFFFFF800, v14;
	v9 =	vand.u32 $0x380, v9  }
0x25d: {  	s10 =	sor.u32 s10, s8;
	v63 =	vld [tilespmem:s7+$0x0];
	v9 =	vor.u32 v14, v9;
	v61 =	vshll.u32 v12, $0x8;
	v12 =	vshll.u32 v12, $0x7  }
0x25e: {  	v62 =	vld [tilespmem:s10+$0x0];
	v7 =	vadd.f32 v10, v7;
	v17 =	vand.u32 $0xFFFFF800, v61;
	v12 =	vand.u32 $0x380, v12  }
0x25f: {  	[tilespmem:v4+s4+$0x0] =	vst.idx.add.f32.msk $0xffff, v2;
	v9 =	vor.u32 v1, v9;
	v12 =	vor.u32 v17, v12  }
0x260: {  	v2 =	vmul.f32 v19, v5;
	v4 =	vadd.f32 v13, v7;
	v10 =	vor.u32 v1, v12  }
0x261: {  	v6 =	vmul.f32 v15, v6;
	v8 =	vadd.f32 v60, v8  }
0x262: {  	[tilespmem:v3+s4+$0x0] =	vst.idx.add.f32.msk $0xffff, v2;
	v2 =	vmul.f32 v63, v4  }
0x263: {  	[tilespmem:v11+s4+$0x0] =	vst.idx.add.f32.msk $0xffff, v6;
	v5 =	vmul.f32 v62, v8  }
0x264: {  	[tilespmem:v9+s4+$0x0] =	vst.idx.add.f32.msk $0xffff, v2  }
0x265: {  	[tilespmem:v10+s4+$0x0] =	vst.idx.add.f32.msk $0xffff, v5  }
0x266: {  	_ =	swait.ge [sflag:s5], $0x8000  }
0x267: {  	s10 =	simm.s32 $0x0;
	[sflag:s5] =	ssyncset.done $0x0  }
0x268: {  	v2 =	vmov s10;
	[sflag:s5] =	ssyncadd.s32 $0xFFFF8000  }
0x269: {  	v2 =	vand.u32 $0xFFFFFFFE, v2;
	_ =	swait.ge [sflag:s5], $0x4000  }
0x26a: {  	v2 =	vbroadcast v2, $0x0;
	[sflag:s5] =	ssyncset.done $0x0  }
0x26b: {  	[sflag:s5] =	ssyncadd.s32 $0xFFFFC000  }
0x26c: {  	s12 =	simm.s32 $0x1;
	_ =	swait.ge [sflag:s5], $0x80  }
0x26d: {  	v3 =	vmov s12;
	[sflag:s5] =	ssyncset.done $0x0  }
0x26e: {  	s8 =	simm.s32 $0x14080;
	[sflag:s5] =	ssyncadd.s32 $0xFFFFFF80  }
0x26f: {  	v4 =	vld [tilespmem:s8+$0xFFFFFF80]  }
0x270: {  	v2 =	vld.idx.msk [tilespmem:v2+s2+$0x0], $0xffff  }
0x271: {  	s13 =	simm.s32 $0x2;
	v5 =	vld [tilespmem:s8+$0xFFFFFF90]  }
0x272: {  	v8 =	vmov s13;
	v6 =	vld.idx.msk [tilespmem:v3+s2+$0x0], $0xffff  }
0x273: {  	v8 =	vand.u32 $0xFFFFFFFE, v8;
	v3 =	vld [tilespmem:s8+$0xFFFFFFA0]  }
0x274: {  	s11 =	simm.s32 $0x0;
	s7 =	sand.u32 $0x800, s10;
	v8 =	vbroadcast v8, $0x0;
	v7 =	vld [tilespmem:s8+$0x0]  }
0x275: {  	s9 =	sand.u32 $0x300, s11;
	s7 =	sor.u32 $0x8000, s7;
	v10 =	vld [tilespmem:s8+$0xFFFFFFB0]  }
0x276: {  	s9 =	sor.u32 s9, s7;
	s12 =	simm.s32 $0x80;
	v11 =	vld [tilespmem:s8+$0x10]  }
0x277: {  	s13 =	sand.u32 $0x380, s12;
	v12 =	vld [tilespmem:s9+$0x0]  }
0x278: {  	s14 =	simm.s32 $0x3;
	s7 =	sor.u32 s13, s7;
	v13 =	vld [tilespmem:s8+$0x20];
	v4 =	vadd.f32 v5, v4;
	v5 =	vshll.u32 v2, $0x8;
	v2 =	vshll.u32 v2, $0x7  }
0x279: {  	v9 =	vmov s14;
	v14 =	vld [tilespmem:s7+$0x0];
	v5 =	vand.u32 $0xFFFFF800, v5;
	v2 =	vand.u32 $0x380, v2  }
0x27a: {  	v15 =	vld.idx.msk [tilespmem:v8+s2+$0x0], $0xffff;
	v3 =	vadd.f32 v3, v4;
	v2 =	vor.u32 v5, v2  }
0x27b: {  	s9 =	simm.s32 $0x14180;
	v4 =	vld [tilespmem:s8+$0x30];
	v2 =	vor.u32 v1, v2  }
0x27c: {  	v8 =	vld [tilespmem:s9+$0x10];
	v7 =	vadd.f32 v11, v7;
	v5 =	vadd.f32 v10, v3  }
0x27d: {  	v11 =	vld [tilespmem:s9+$0xFFFFFF90]  }
0x27e: {  	v7 =	vadd.f32 v13, v7;
	v3 =	vld.idx.msk [tilespmem:v9+s2+$0x0], $0xffff;
	v5 =	vmul.f32 v12, v5  }
0x27f: {  	v10 =	vld [tilespmem:s9+$0xFFFFFF80]  }
0x280: {  	[tilespmem:v2+s4+$0x0] =	vst.idx.add.f32.msk $0xffff, v5;
	v2 =	vadd.f32 v4, v7;
	v4 =	vshll.u32 v6, $0x8;
	v7 =	vshll.u32 v6, $0x7  }
0x281: {  	s11 =	simm.s32 $0x5;
	s14 =	simm.s32 $0x4;
	s7 =	simm.s32 $0x200;
	v6 =	vld [tilespmem:s9+$0xFFFFFFA0];
	v4 =	vand.u32 $0xFFFFF800, v4;
	v7 =	vand.u32 $0x380, v7  }
0x282: {  	s12 =	simm.s32 $0x100;
	s8 =	simm.s32 $0x180;
	v13 =	vshll.u32 v15, $0x8;
	v9 =	vmov s14;
	s14 =	sand.u32 $0x800, s7;
	v5 =	vld [tilespmem:s9+$0x0];
	v4 =	vor.u32 v4, v7  }
0x283: {  	s13 =	sand.u32 $0x380, s8;
	s14 =	sor.u32 $0x8000, s14;
	v12 =	vand.u32 $0xFFFFFFFE, v9;
	v9 =	vmov s11;
	s11 =	sand.u32 $0x300, s12;
	v7 =	vld [tilespmem:s9+$0xFFFFFFB0];
	v4 =	vor.u32 v1, v4  }
0x284: {  	s10 =	simm.s32 $0x6;
	s12 =	sor.u32 s11, s14;
	s11 =	sor.u32 s13, s14;
	v11 =	vadd.f32 v11, v10;
	v10 =	vld [tilespmem:s9+$0x20];
	v2 =	vmul.f32 v14, v2;
	v14 =	vshll.u32 v15, $0x7  }
.LBB2_18:
0x285: {  	p0 =	slt.u32 s10, $0xE;
	v12 =	vbroadcast v12, $0x0;
	v15 =	vld [tilespmem:s12+$0x0];
	v13 =	vand.u32 $0xFFFFF800, v13;
	v14 =	vand.u32 $0x380, v14  }
0x286: {  	v6 =	vadd.f32 v6, v11;
	v11 =	vor.u32 v13, v14;
	v13 =	vld [tilespmem:s9+$0x30]  }
0x287: {  	v11 =	vor.u32 v1, v11;
	v5 =	vadd.f32 v8, v5;
	v8 =	vld [tilespmem:s11+$0x0]  }
0x288: {  	v6 =	vadd.f32 v7, v6;
	[tilespmem:v4+s4+$0x0] =	vst.idx.add.f32.msk $0xffff, v2  }
0x289: {  	s9 =	sadd.s32 $0x100, s9;
	v4 =	vld.idx.msk [tilespmem:v9+s2+$0x0], $0xffff;
	v2 =	vadd.f32 v10, v5  }
0x28a: {  	v10 =	vld [tilespmem:s9+$0xFFFFFF80];
	v5 =	vmul.f32 v15, v6  }
0x28b: {  	v14 =	vld.idx.msk [tilespmem:v12+s2+$0x0], $0xffff;
	v2 =	vadd.f32 v13, v2  }
0x28c: {  	[tilespmem:v11+s4+$0x0] =	vst.idx.add.f32.msk $0xffff, v5  }
0x28d: {  	v11 =	vld [tilespmem:s9+$0xFFFFFF90];
	v2 =	vmul.f32 v8, v2  }
.Ltmp8:
0x28e: {  	v7 =	vshll.u32 v3, $0x8;
	v8 =	vshll.u32 v3, $0x7;
	v5 =	vld [tilespmem:s9+$0x0];
	(pc) =	sbr.rel @p0 .LBB2_18-.Ltmp8, $4  }
0x28f: {  	s8 =	sadd.s32 $0x100, s8;
	s7 =	sadd.s32 $0x200, s7;
	s11 =	sadd.s32 $0x1, s10;
	v7 =	vand.u32 $0xFFFFF800, v7;
	v9 =	vand.u32 $0x380, v8;
	v3 =	vmov v4;
	v6 =	vld [tilespmem:s9+$0xFFFFFFA0]  }
0x290: {  	s12 =	sadd.s32 $0xFFFFFF80, s8;
	s13 =	sand.u32 $0x800, s7;
	s14 =	sand.u32 $0x380, s8;
	v4 =	vmov s10;
	v13 =	vor.u32 v7, v9;
	v8 =	vld [tilespmem:s9+$0x10]  }
0x291: {  	s13 =	sor.u32 $0x8000, s13;
	v12 =	vand.u32 $0xFFFFFFFE, v4;
	v9 =	vmov s11;
	s11 =	sand.u32 $0x300, s12;
	v4 =	vor.u32 v1, v13;
	v7 =	vld [tilespmem:s9+$0xFFFFFFB0]  }
0x292: {  	s10 =	sadd.s32 $0x2, s10;
	s12 =	sor.u32 s11, s13;
	v13 =	vshll.u32 v14, $0x8;
	v14 =	vshll.u32 v14, $0x7;
	s11 =	sor.u32 s14, s13;
	v11 =	vadd.f32 v11, v10;
	v10 =	vld [tilespmem:s9+$0x20]  }
0x293: {  	_ =	sdelay $0x1  }
0x294: {  	v15 =	vld [tilespmem:s12+$0x0]  }
0x295: {  	v16 =	vld [tilespmem:s9+$0x30]  }
0x296: {  	v9 =	vld.idx.msk [tilespmem:v9+s2+$0x0], $0xffff  }
0x297: {  	v12 =	vbroadcast v12, $0x0;
	v19 =	vld [tilespmem:s11+$0x0]  }
0x298: {  	s14 =	sadd.s32 $0x100, s9;
	[tilespmem:v4+s4+$0x0] =	vst.idx.add.f32.msk $0xffff, v2  }
0x299: {  	v17 =	vld [tilespmem:s14+$0xFFFFFF80]  }
0x29a: {  	v18 =	vld [tilespmem:s14+$0xFFFFFF90]  }
0x29b: {  	v13 =	vand.u32 $0xFFFFF800, v13;
	v14 =	vand.u32 $0x380, v14;
	v50 =	vshll.u32 v3, $0x8;
	v47 =	vld [tilespmem:s14+$0x0]  }
0x29c: {  	v3 =	vshll.u32 v3, $0x7;
	v13 =	vor.u32 v13, v14;
	v51 =	vld [tilespmem:s14+$0x10];
	v5 =	vadd.f32 v8, v5  }
0x29d: {  	v6 =	vadd.f32 v6, v11;
	v52 =	vand.u32 $0xFFFFF800, v50;
	v3 =	vand.u32 $0x380, v3;
	v12 =	vld.idx.msk [tilespmem:v12+s2+$0x0], $0xffff  }
0x29e: {  	s8 =	sadd.s32 $0x100, s8;
	s7 =	sadd.s32 $0x200, s7;
	v54 =	vld [tilespmem:s14+$0x20];
	v48 =	vor.u32 v1, v13;
	v3 =	vor.u32 v52, v3;
	v5 =	vadd.f32 v10, v5  }
0x29f: {  	v49 =	vld [tilespmem:s14+$0xFFFFFFA0];
	s10 =	sadd.s32 $0xFFFFFF80, s8;
	s7 =	sand.u32 $0x800, s7;
	v6 =	vadd.f32 v7, v6;
	v3 =	vor.u32 v1, v3;
	v59 =	vshll.u32 v9, $0x8  }
0x2a0: {  	s8 =	sand.u32 $0x380, s8;
	v57 =	vld [tilespmem:s14+$0x30];
	s10 =	sand.u32 $0x300, s10;
	s7 =	sor.u32 $0x8000, s7;
	v9 =	vshll.u32 v9, $0x7;
	v5 =	vadd.f32 v16, v5;
	v53 =	vadd.f32 v18, v17  }
0x2a1: {  	v55 =	vld [tilespmem:s14+$0xFFFFFFB0];
	s10 =	sor.u32 s10, s7;
	s7 =	sor.u32 s8, s7;
	v8 =	vadd.f32 v51, v47;
	v14 =	vand.u32 $0xFFFFF800, v59;
	v9 =	vand.u32 $0x380, v9  }
0x2a2: {  	v60 =	vld [tilespmem:s7+$0x0];
	v9 =	vor.u32 v14, v9;
	v56 =	vshll.u32 v12, $0x8;
	v12 =	vshll.u32 v12, $0x7  }
0x2a3: {  	v58 =	vld [tilespmem:s10+$0x0];
	v8 =	vadd.f32 v54, v8;
	v17 =	vand.u32 $0xFFFFF800, v56;
	v12 =	vand.u32 $0x380, v12  }
0x2a4: {  	v7 =	vadd.f32 v49, v53;
	v9 =	vor.u32 v1, v9;
	v12 =	vor.u32 v17, v12  }
0x2a5: {  	v2 =	vmul.f32 v19, v5;
	v62 =	vadd.f32 v57, v8;
	v61 =	vor.u32 v1, v12  }
0x2a6: {  	v6 =	vmul.f32 v15, v6;
	v7 =	vadd.f32 v55, v7  }
0x2a7: {  	[tilespmem:v3+s4+$0x0] =	vst.idx.add.f32.msk $0xffff, v2;
	v2 =	vmul.f32 v60, v62  }
0x2a8: {  	s6 =	sadd.s32 $0x1, s6;
	[tilespmem:v48+s4+$0x0] =	vst.idx.add.f32.msk $0xffff, v6;
	v63 =	vmul.f32 v58, v7  }
0x2a9: {  	p0 =	sne.s32 s6, s30;
	[tilespmem:v9+s4+$0x0] =	vst.idx.add.f32.msk $0xffff, v2  }
.Ltmp9:
0x2aa: {  	[tilespmem:v61+s4+$0x0] =	vst.idx.add.f32.msk $0xffff, v63;
	(pc) =	sbr.rel @p0 .LBB2_1-.Ltmp9, $4  }
0x2ab: {  	[hbm4b:s29+s15] =	stream.linear.scatter [tilespmem:s4], [sflag:$0x3], $0x1000, $0x38;
	[tilespmem:$0x19180] =	vst v63  }
0x2ac: {  	_ =	swait.ge [sflag:s23], $0x1000  }
0x2ad: {  	[sflag:s23] =	ssyncset.done $0x0  }
0x2ae: {  	[sflag:s23] =	ssyncadd.s32 $0xFFFFF000  }
0x2af: {  	_ =	sfence.sel $0x180000  }
0x2b0: {  	[bflag:$0x0] =	sbarrier.arrive $0xFFFF  }
0x2b1: {  	_ =	strace $0x90000047  }
0x2b2: {  	s0 =	stileid.u32;
	[bflag:$0x2] =	sbarrier.arrive $0xFFFF  }
0x2b3: {  	p0 =	sne.s32 s0, $0x0;
	s0 =	rddreg [dreg:$0x4]  }
0x2b4: {  	s0 =	sadd.s32 @!p0 $0x100000, s0  }
0x2b5: {  	[sflag:s0] =	ssyncadd.tile.s32 @!p0 $0x1;
	_ =	shalt  }
.Lfunc_end2:
_tile_overlayer_lowered:
.L_overlay_start_2:
0x2b6: {  	(tag) =	ssettag $0x2  }
0x2b7: {  	s0 =	rddreg [dreg:$0x0];
	s2 =	stileid.u32  }
0x2b8: {  	s1 =	rddreg [dreg:$0x1];
	p0 =	sne.s32 s2, $0x0  }
0x2b9: {  	s3 =	rddreg [dreg:$0x2];
	[bflag:$0x3] =	sbarrier.arrive $0xFFFF;
	s2 =	simm.s32 @!p0 $0x1C03  }
0x2ba: {  	[timem:s3], [sflag:s2] =	dma.local @!p0 [hbm:s0], s1  }
0x2bb: {  	s0 =	simm.s32 @!p0 $0x3  }
0x2bc: {  	_ =	swait.ge @!p0 [sflag:s0], s1  }
0x2bd: {  	s1 =	ssub.s32 @!p0 $0x0, s1;
	[sflag:s0] =	ssyncset.done @!p0 $0x0  }
0x2be: {  	[sflag:s0] =	ssyncadd.s32 @!p0 s1  }
0x2bf: {  	[bflag:$0x3] =	sbarrier.arrive $0xFFFF  }
0x2c0: {  	_ =	shalt  }

</sc_bundles>
